<compile_context>
chip_gen: v7x
topology: tpu7x:2x2x1
jax: 0.10.2.dev20260603
libtpu: 0.0.44.dev20260713+nightly
codegen_flags: <defaults>
</compile_context>

<pallas_src>
import functools

import jax
import jax.numpy as jnp
from jax import lax
from jax.experimental import pallas as pl
from jax.experimental.pallas import tpu as pltpu
from jax.experimental.pallas import tpu_sc as plsc

NUM_USERS = 1000000
NUM_ITEMS = 1000000
EMBDIM = 64
BATCH = 16384
WEIGHT_DECAY = 0.0001

NC = 2
NS = 16
LANES = 16
NW = NC * NS
BPW = BATCH // NW
UCH = BPW // 128
ICH = 2 * BPW // 128


def _sc_body(user_hbm, item_hbm, uid_hbm, iid_hbm,
             score_hbm, pos_hbm, neg_hbm,
             uidx_v, iidx_v, urows_v, irows_v, score_v, pos_v, neg_v, sem):
    wid = lax.axis_index("s") * NC + lax.axis_index("c")

    pltpu.sync_copy(uid_hbm.at[wid], uidx_v)
    pltpu.sync_copy(iid_hbm.at[wid], iidx_v)

    copies = []
    for j in range(UCH):
        copies.append(pltpu.async_copy(
            user_hbm.at[uidx_v.at[j]], urows_v.at[pl.ds(j * 128, 128)], sem))
    for j in range(ICH):
        copies.append(pltpu.async_copy(
            item_hbm.at[iidx_v.at[j]], irows_v.at[pl.ds(j * 128, 128)], sem))
    for c in copies:
        c.wait()

    lanes = lax.broadcasted_iota(jnp.int32, (LANES,), 0)
    zero = jnp.zeros((LANES,), jnp.float32)

    def group(g, carry):
        rows = g * LANES + lanes
        prow = rows * 2
        nrow = prow + 1

        def dstep(d, acc):
            pacc, nacc = acc
            dv = jnp.full((LANES,), d, dtype=jnp.int32)
            u = plsc.load_gather(urows_v, [rows, dv])
            p = plsc.load_gather(irows_v, [prow, dv])
            n = plsc.load_gather(irows_v, [nrow, dv])
            return (pacc + u * p, nacc + u * n)

        pacc, nacc = lax.fori_loop(0, EMBDIM, dstep, (zero, zero))
        plsc.store_scatter(score_v, [prow], pacc)
        plsc.store_scatter(score_v, [nrow], nacc)
        base = g * LANES
        pos_v[pl.ds(base, LANES)] = pacc
        neg_v[pl.ds(base, LANES)] = nacc
        return carry

    lax.fori_loop(0, BPW // LANES, group, 0)

    pltpu.sync_copy(score_v, score_hbm.at[pl.ds(wid * 2 * BPW, 2 * BPW)])
    pltpu.sync_copy(pos_v, pos_hbm.at[pl.ds(wid * BPW, BPW)])
    pltpu.sync_copy(neg_v, neg_hbm.at[pl.ds(wid * BPW, BPW)])


_sc_score = functools.partial(
    pl.kernel,
    mesh=plsc.VectorSubcoreMesh(core_axis_name="c", subcore_axis_name="s"),
    out_type=(
        jax.ShapeDtypeStruct((2 * BATCH,), jnp.float32),
        jax.ShapeDtypeStruct((BATCH,), jnp.float32),
        jax.ShapeDtypeStruct((BATCH,), jnp.float32),
    ),
    scratch_types=[
        pltpu.VMEM((UCH, 128), jnp.int32),
        pltpu.VMEM((ICH, 128), jnp.int32),
        pltpu.VMEM((BPW, EMBDIM), jnp.float32),
        pltpu.VMEM((2 * BPW, EMBDIM), jnp.float32),
        pltpu.VMEM((2 * BPW,), jnp.float32),
        pltpu.VMEM((BPW,), jnp.float32),
        pltpu.VMEM((BPW,), jnp.float32),
        pltpu.SemaphoreType.DMA,
    ],
    compiler_params=pltpu.CompilerParams(
        needs_layout_passes=False, use_tc_tiling_on_sc=False),
)(_sc_body)



COLS_PER_BLOCK = 24576
N_BLOCKS = -(-NUM_USERS // COLS_PER_BLOCK)


def _ssq_body(x_ref, acc_ref):
    i = pl.program_id(0)

    @pl.when(i == 0)
    def _():
        acc_ref[0, 0] = 0.0

    x = x_ref[...]

    @pl.when(i < N_BLOCKS - 1)
    def _():
        acc_ref[0, 0] += jnp.sum(x * x)

    @pl.when(i == N_BLOCKS - 1)
    def _():
        col = lax.broadcasted_iota(jnp.int32, (EMBDIM, COLS_PER_BLOCK), 1)
        valid = col < (NUM_USERS - (N_BLOCKS - 1) * COLS_PER_BLOCK)
        xm = jnp.where(valid, x, 0.0)
        acc_ref[0, 0] += jnp.sum(xm * xm)


def _sumsq(table_t):
    return pl.pallas_call(
        _ssq_body,
        grid=(N_BLOCKS,),
        in_specs=[pl.BlockSpec((EMBDIM, COLS_PER_BLOCK), lambda i: (0, i))],
        out_specs=pl.BlockSpec(memory_space=pltpu.SMEM),
        out_shape=jax.ShapeDtypeStruct((1, 1), jnp.float32),
    )(table_t)



LR = 128


def _loss_body(pos_ref, neg_ref, ssu_ref, ssi_ref, out_ref):
    diff = pos_ref[...] - neg_ref[...]
    p = jax.nn.sigmoid(diff)
    bpr = -jnp.sum(jnp.log(p + 1e-8)) / BATCH
    reg = (ssu_ref[0, 0] + ssi_ref[0, 0]) * 0.5
    out_ref[0, 0] = bpr + WEIGHT_DECAY * reg


def _loss(pos, neg, ssu, ssi):
    return pl.pallas_call(
        _loss_body,
        in_specs=[
            pl.BlockSpec((LR, LR), lambda: (0, 0)),
            pl.BlockSpec((LR, LR), lambda: (0, 0)),
            pl.BlockSpec(memory_space=pltpu.SMEM),
            pl.BlockSpec(memory_space=pltpu.SMEM),
        ],
        out_specs=pl.BlockSpec(memory_space=pltpu.SMEM),
        out_shape=jax.ShapeDtypeStruct((1, 1), jnp.float32),
    )(pos.reshape(LR, LR), neg.reshape(LR, LR), ssu, ssi)


def kernel(user_table, item_table, uid, iid):
    uid_rs = uid.reshape(NW, UCH, 128)
    iid_rs = iid.reshape(NW, ICH, 128)
    ssu = jnp.zeros((1, 1), jnp.float32)
    ssi = jnp.zeros((1, 1), jnp.float32)
    score_flat, pos, neg = _sc_score(user_table, item_table, uid_rs, iid_rs)
    score = score_flat.reshape(BATCH, 2)
    loss = _loss(pos, neg, ssu, ssi)[0, 0]
    return (score, loss)

# --- scband reference (transcript-rebuilt; emitter-appended) ---
"""Pipeline reference for scband-model-2619930051677 (READ-ONLY COPY).

The authoritative reference and input builder live on the scoring server;
editing this copy changes nothing except your own understanding.
"""

import jax, jax.numpy as jnp
import numpy as np

NUM_USERS = 1000000
NUM_ITEMS = 1000000
EMBDIM = 64
BATCH = 16384
WEIGHT_DECAY = 0.0001

def _xavier_uniform(key, shape):
    fan_in, fan_out = shape[0], shape[1]
    bound = np.sqrt(6.0 / (fan_in + fan_out))
    return jax.random.uniform(key, shape, dtype=jnp.float32, minval=-bound, maxval=bound)

def setup_inputs(seed: int = 0) -> dict:
    key = jax.random.key(seed)
    k1, k2, k3, k4 = jax.random.split(key, 4)
    uid = jax.random.randint(k1, (BATCH,), 0, NUM_USERS, dtype=jnp.int64 if jax.config.jax_enable_x64 else jnp.int32).astype(jnp.int32)
    iid = jax.random.randint(k2, (BATCH, 2), 0, NUM_ITEMS, dtype=jnp.int32)
    user_table = _xavier_uniform(k3, (NUM_USERS, EMBDIM))
    item_table = _xavier_uniform(k4, (NUM_ITEMS, EMBDIM))
    return {"user_table": user_table, "item_table": item_table, "uid": uid, "iid": iid}

def reference(user_table, item_table, uid, iid):
    # Embedding lookups (dropout is identity in eval mode)
    user_vec = jnp.take(user_table, uid, axis=0)          # [B, D]
    item_vec = jnp.take(item_table, iid, axis=0)           # [B, 2, D]
    # Predictor: matmul(item_vec, user_vec.unsqueeze(-1)).squeeze(-1)
    score = jnp.sum(item_vec * user_vec[:, None, :], axis=-1)  # [B, 2]
    # BPR loss
    pos_score = score[:, 0]
    neg_score = score[:, 1]
    loss = -jnp.mean(jnp.log(jax.nn.sigmoid(pos_score - neg_score) + 1e-08))
    # L2 regularizer over embedding weights (no bias params in this model)
    reg = (jnp.sum(user_table ** 2) + jnp.sum(item_table ** 2)) / 2.0
    loss = loss + WEIGHT_DECAY * reg
    return (score, loss)

if __name__ == "__main__":
    import jax
    _d = setup_inputs()
    print(jax.jit(kernel)(*tuple(_d.values())))

</pallas_src>

<mosaic_0001>
#map = affine_map<(d0, d1) -> (0, 0)>
#map1 = affine_map<(d0, d1) -> (0, 0, 0)>
#map2 = affine_map<(d0, d1) -> (0)>
module attributes {stable_mosaic.version = 14 : i64} {
  func.func @_sc_body(%arg0: i32, %arg1: i32, %arg2: memref<1000000x64xf32, #tpu.memory_space<hbm>>, %arg3: memref<1000000x64xf32, #tpu.memory_space<hbm>>, %arg4: memref<32x4x128xi32, #tpu.memory_space<hbm>>, %arg5: memref<32x8x128xi32, #tpu.memory_space<hbm>>, %arg6: memref<32768xf32, #tpu.memory_space<hbm>>, %arg7: memref<16384xf32, #tpu.memory_space<hbm>>, %arg8: memref<16384xf32, #tpu.memory_space<hbm>>, %arg9: memref<4x128xi32, #tpu.memory_space<vmem>>, %arg10: memref<8x128xi32, #tpu.memory_space<vmem>>, %arg11: memref<512x64xf32, #tpu.memory_space<vmem>>, %arg12: memref<1024x64xf32, #tpu.memory_space<vmem>>, %arg13: memref<1024xf32, #tpu.memory_space<vmem>>, %arg14: memref<512xf32, #tpu.memory_space<vmem>>, %arg15: memref<512xf32, #tpu.memory_space<vmem>>, %arg16: memref<!tpu.dma_semaphore, #tpu.memory_space<semaphore_mem>>) attributes {dimension_semantics = [#tpu.dimension_semantics<core_parallel>, #tpu.dimension_semantics<subcore_parallel>], iteration_bounds = array<i64: 2, 16>, scalar_prefetch = 0 : i64, scratch_operands = 8 : i64, tpu.core_type = #tpu.core_type<sc_vector_subcore>, window_params = [{transform_indices = #map}, {transform_indices = #map}, {transform_indices = #map1}, {transform_indices = #map1}, {transform_indices = #map2}, {transform_indices = #map2}, {transform_indices = #map2}]} {
    %mul3A = arith.constant 2 : i32
    %mul3A_0 = arith.muli %arg1, %mul3A : i32
    %add3A = arith.addi %mul3A_0, %arg0 : i32
    "tpu.region"() ({
      %run_scoped3A = tpu.sem_alloc : memref<!tpu.dma_semaphore, #tpu.memory_space<semaphore_mem>>
      %dma_start3A_253 = arith.constant 0 : i32
      %dma_start3A_254 = arith.constant 0 : i32
      %dma_start3A_255 = tpu.memref_slice %arg4[%add3A, %dma_start3A_253, %dma_start3A_254] : memref<32x4x128xi32, #tpu.memory_space<hbm>> -> memref<1x4x128xi32, #tpu.memory_space<hbm>>
      %dma_start3A_256 = tpu.memref_squeeze %dma_start3A_255 : memref<1x4x128xi32, #tpu.memory_space<hbm>> -> memref<4x128xi32, #tpu.memory_space<hbm>>
      %dma_start3A_257 = arith.constant 0 : i32
      %dma_start3A_258 = arith.constant 0 : i32
      %dma_start3A_259 = tpu.memref_slice %arg4[%add3A, %dma_start3A_257, %dma_start3A_258] : memref<32x4x128xi32, #tpu.memory_space<hbm>> -> memref<1x4x128xi32, #tpu.memory_space<hbm>>
      %dma_start3A_260 = tpu.memref_squeeze %dma_start3A_259 : memref<1x4x128xi32, #tpu.memory_space<hbm>> -> memref<4x128xi32, #tpu.memory_space<hbm>>
      tpu.enqueue_dma source(%dma_start3A_260 : memref<4x128xi32, #tpu.memory_space<hbm>>) target(%arg9 : memref<4x128xi32, #tpu.memory_space<vmem>>) target_semaphore(%run_scoped3A : memref<!tpu.dma_semaphore, #tpu.memory_space<semaphore_mem>>)
      %dma_wait3A_261 = arith.constant 0 : i32
      %dma_wait3A_262 = arith.constant 0 : i32
      %dma_wait3A_263 = tpu.memref_slice %arg4[%add3A, %dma_wait3A_261, %dma_wait3A_262] : memref<32x4x128xi32, #tpu.memory_space<hbm>> -> memref<1x4x128xi32, #tpu.memory_space<hbm>>
      %dma_wait3A_264 = tpu.memref_squeeze %dma_wait3A_263 : memref<1x4x128xi32, #tpu.memory_space<hbm>> -> memref<4x128xi32, #tpu.memory_space<hbm>>
      %dma_wait3A_265 = arith.constant 0 : i32
      %dma_wait3A_266 = arith.constant 0 : i32
      %dma_wait3A_267 = tpu.memref_slice %arg4[%add3A, %dma_wait3A_265, %dma_wait3A_266] : memref<32x4x128xi32, #tpu.memory_space<hbm>> -> memref<1x4x128xi32, #tpu.memory_space<hbm>>
      %dma_wait3A_268 = tpu.memref_squeeze %dma_wait3A_267 : memref<1x4x128xi32, #tpu.memory_space<hbm>> -> memref<4x128xi32, #tpu.memory_space<hbm>>
      tpu.wait_dma2 semaphore(%run_scoped3A : memref<!tpu.dma_semaphore, #tpu.memory_space<semaphore_mem>>) src(%dma_wait3A_268 : memref<4x128xi32, #tpu.memory_space<hbm>>) dst(%arg9 : memref<4x128xi32, #tpu.memory_space<vmem>>)
      tpu.yield
    }) : () -> ()
    "tpu.region"() ({
      %run_scoped3A = tpu.sem_alloc : memref<!tpu.dma_semaphore, #tpu.memory_space<semaphore_mem>>
      %dma_start3A_253 = arith.constant 0 : i32
      %dma_start3A_254 = arith.constant 0 : i32
      %dma_start3A_255 = tpu.memref_slice %arg5[%add3A, %dma_start3A_253, %dma_start3A_254] : memref<32x8x128xi32, #tpu.memory_space<hbm>> -> memref<1x8x128xi32, #tpu.memory_space<hbm>>
      %dma_start3A_256 = tpu.memref_squeeze %dma_start3A_255 : memref<1x8x128xi32, #tpu.memory_space<hbm>> -> memref<8x128xi32, #tpu.memory_space<hbm>>
      %dma_start3A_257 = arith.constant 0 : i32
      %dma_start3A_258 = arith.constant 0 : i32
      %dma_start3A_259 = tpu.memref_slice %arg5[%add3A, %dma_start3A_257, %dma_start3A_258] : memref<32x8x128xi32, #tpu.memory_space<hbm>> -> memref<1x8x128xi32, #tpu.memory_space<hbm>>
      %dma_start3A_260 = tpu.memref_squeeze %dma_start3A_259 : memref<1x8x128xi32, #tpu.memory_space<hbm>> -> memref<8x128xi32, #tpu.memory_space<hbm>>
      tpu.enqueue_dma source(%dma_start3A_260 : memref<8x128xi32, #tpu.memory_space<hbm>>) target(%arg10 : memref<8x128xi32, #tpu.memory_space<vmem>>) target_semaphore(%run_scoped3A : memref<!tpu.dma_semaphore, #tpu.memory_space<semaphore_mem>>)
      %dma_wait3A_261 = arith.constant 0 : i32
      %dma_wait3A_262 = arith.constant 0 : i32
      %dma_wait3A_263 = tpu.memref_slice %arg5[%add3A, %dma_wait3A_261, %dma_wait3A_262] : memref<32x8x128xi32, #tpu.memory_space<hbm>> -> memref<1x8x128xi32, #tpu.memory_space<hbm>>
      %dma_wait3A_264 = tpu.memref_squeeze %dma_wait3A_263 : memref<1x8x128xi32, #tpu.memory_space<hbm>> -> memref<8x128xi32, #tpu.memory_space<hbm>>
      %dma_wait3A_265 = arith.constant 0 : i32
      %dma_wait3A_266 = arith.constant 0 : i32
      %dma_wait3A_267 = tpu.memref_slice %arg5[%add3A, %dma_wait3A_265, %dma_wait3A_266] : memref<32x8x128xi32, #tpu.memory_space<hbm>> -> memref<1x8x128xi32, #tpu.memory_space<hbm>>
      %dma_wait3A_268 = tpu.memref_squeeze %dma_wait3A_267 : memref<1x8x128xi32, #tpu.memory_space<hbm>> -> memref<8x128xi32, #tpu.memory_space<hbm>>
      tpu.wait_dma2 semaphore(%run_scoped3A : memref<!tpu.dma_semaphore, #tpu.memory_space<semaphore_mem>>) src(%dma_wait3A_268 : memref<8x128xi32, #tpu.memory_space<hbm>>) dst(%arg10 : memref<8x128xi32, #tpu.memory_space<vmem>>)
      tpu.yield
    }) : () -> ()
    %dma_start3A = arith.constant 0 : i32
    %dma_start3A_1 = arith.constant 0 : i32
    %dma_start3A_2 = arith.constant 0 : i32
    %dma_start3A_3 = tpu.memref_slice %arg11[%dma_start3A_1, %dma_start3A_2] : memref<512x64xf32, #tpu.memory_space<vmem>> -> memref<128x64xf32, #tpu.memory_space<vmem>>
    %dma_start3A_4 = arith.constant 0 : i32
    %dma_start3A_5 = tpu.memref_slice %arg9[%dma_start3A, %dma_start3A_4] : memref<4x128xi32, #tpu.memory_space<vmem>> -> memref<1x128xi32, #tpu.memory_space<vmem>>
    %dma_start3A_6 = tpu.memref_squeeze %dma_start3A_5 : memref<1x128xi32, #tpu.memory_space<vmem>> -> memref<128xi32, #tpu.memory_space<vmem>>
    %dma_start3A_7 = arith.constant 0 : i32
    %dma_start3A_8 = arith.constant 0 : i32
    %dma_start3A_9 = tpu.memref_slice %arg2[%dma_start3A_7, %dma_start3A_8] : memref<1000000x64xf32, #tpu.memory_space<hbm>> -> memref<1000000x64xf32, #tpu.memory_space<hbm>>
    tpu.enqueue_indirect_dma source(%dma_start3A_9 : memref<1000000x64xf32, #tpu.memory_space<hbm>>) target(%dma_start3A_3 : memref<128x64xf32, #tpu.memory_space<vmem>>) offsets(%dma_start3A_6 : memref<128xi32, #tpu.memory_space<vmem>>) semaphore(%arg16 : memref<!tpu.dma_semaphore, #tpu.memory_space<semaphore_mem>>)
    %dma_start3A_10 = arith.constant 1 : i32
    %dma_start3A_11 = arith.constant 128 : i32
    %dma_start3A_12 = arith.constant 0 : i32
    %dma_start3A_13 = tpu.memref_slice %arg11[%dma_start3A_11, %dma_start3A_12] : memref<512x64xf32, #tpu.memory_space<vmem>> -> memref<128x64xf32, #tpu.memory_space<vmem>>
    %dma_start3A_14 = arith.constant 0 : i32
    %dma_start3A_15 = tpu.memref_slice %arg9[%dma_start3A_10, %dma_start3A_14] : memref<4x128xi32, #tpu.memory_space<vmem>> -> memref<1x128xi32, #tpu.memory_space<vmem>>
    %dma_start3A_16 = tpu.memref_squeeze %dma_start3A_15 : memref<1x128xi32, #tpu.memory_space<vmem>> -> memref<128xi32, #tpu.memory_space<vmem>>
    %dma_start3A_17 = arith.constant 0 : i32
    %dma_start3A_18 = arith.constant 0 : i32
    %dma_start3A_19 = tpu.memref_slice %arg2[%dma_start3A_17, %dma_start3A_18] : memref<1000000x64xf32, #tpu.memory_space<hbm>> -> memref<1000000x64xf32, #tpu.memory_space<hbm>>
    tpu.enqueue_indirect_dma source(%dma_start3A_19 : memref<1000000x64xf32, #tpu.memory_space<hbm>>) target(%dma_start3A_13 : memref<128x64xf32, #tpu.memory_space<vmem>>) offsets(%dma_start3A_16 : memref<128xi32, #tpu.memory_space<vmem>>) semaphore(%arg16 : memref<!tpu.dma_semaphore, #tpu.memory_space<semaphore_mem>>)
    %dma_start3A_20 = arith.constant 2 : i32
    %dma_start3A_21 = arith.constant 256 : i32
    %dma_start3A_22 = arith.constant 0 : i32
    %dma_start3A_23 = tpu.memref_slice %arg11[%dma_start3A_21, %dma_start3A_22] : memref<512x64xf32, #tpu.memory_space<vmem>> -> memref<128x64xf32, #tpu.memory_space<vmem>>
    %dma_start3A_24 = arith.constant 0 : i32
    %dma_start3A_25 = tpu.memref_slice %arg9[%dma_start3A_20, %dma_start3A_24] : memref<4x128xi32, #tpu.memory_space<vmem>> -> memref<1x128xi32, #tpu.memory_space<vmem>>
    %dma_start3A_26 = tpu.memref_squeeze %dma_start3A_25 : memref<1x128xi32, #tpu.memory_space<vmem>> -> memref<128xi32, #tpu.memory_space<vmem>>
    %dma_start3A_27 = arith.constant 0 : i32
    %dma_start3A_28 = arith.constant 0 : i32
    %dma_start3A_29 = tpu.memref_slice %arg2[%dma_start3A_27, %dma_start3A_28] : memref<1000000x64xf32, #tpu.memory_space<hbm>> -> memref<1000000x64xf32, #tpu.memory_space<hbm>>
    tpu.enqueue_indirect_dma source(%dma_start3A_29 : memref<1000000x64xf32, #tpu.memory_space<hbm>>) target(%dma_start3A_23 : memref<128x64xf32, #tpu.memory_space<vmem>>) offsets(%dma_start3A_26 : memref<128xi32, #tpu.memory_space<vmem>>) semaphore(%arg16 : memref<!tpu.dma_semaphore, #tpu.memory_space<semaphore_mem>>)
    %dma_start3A_30 = arith.constant 3 : i32
    %dma_start3A_31 = arith.constant 384 : i32
    %dma_start3A_32 = arith.constant 0 : i32
    %dma_start3A_33 = tpu.memref_slice %arg11[%dma_start3A_31, %dma_start3A_32] : memref<512x64xf32, #tpu.memory_space<vmem>> -> memref<128x64xf32, #tpu.memory_space<vmem>>
    %dma_start3A_34 = arith.constant 0 : i32
    %dma_start3A_35 = tpu.memref_slice %arg9[%dma_start3A_30, %dma_start3A_34] : memref<4x128xi32, #tpu.memory_space<vmem>> -> memref<1x128xi32, #tpu.memory_space<vmem>>
    %dma_start3A_36 = tpu.memref_squeeze %dma_start3A_35 : memref<1x128xi32, #tpu.memory_space<vmem>> -> memref<128xi32, #tpu.memory_space<vmem>>
    %dma_start3A_37 = arith.constant 0 : i32
    %dma_start3A_38 = arith.constant 0 : i32
    %dma_start3A_39 = tpu.memref_slice %arg2[%dma_start3A_37, %dma_start3A_38] : memref<1000000x64xf32, #tpu.memory_space<hbm>> -> memref<1000000x64xf32, #tpu.memory_space<hbm>>
    tpu.enqueue_indirect_dma source(%dma_start3A_39 : memref<1000000x64xf32, #tpu.memory_space<hbm>>) target(%dma_start3A_33 : memref<128x64xf32, #tpu.memory_space<vmem>>) offsets(%dma_start3A_36 : memref<128xi32, #tpu.memory_space<vmem>>) semaphore(%arg16 : memref<!tpu.dma_semaphore, #tpu.memory_space<semaphore_mem>>)
    %dma_start3A_40 = arith.constant 0 : i32
    %dma_start3A_41 = arith.constant 0 : i32
    %dma_start3A_42 = arith.constant 0 : i32
    %dma_start3A_43 = tpu.memref_slice %arg12[%dma_start3A_41, %dma_start3A_42] : memref<1024x64xf32, #tpu.memory_space<vmem>> -> memref<128x64xf32, #tpu.memory_space<vmem>>
    %dma_start3A_44 = arith.constant 0 : i32
    %dma_start3A_45 = tpu.memref_slice %arg10[%dma_start3A_40, %dma_start3A_44] : memref<8x128xi32, #tpu.memory_space<vmem>> -> memref<1x128xi32, #tpu.memory_space<vmem>>
    %dma_start3A_46 = tpu.memref_squeeze %dma_start3A_45 : memref<1x128xi32, #tpu.memory_space<vmem>> -> memref<128xi32, #tpu.memory_space<vmem>>
    %dma_start3A_47 = arith.constant 0 : i32
    %dma_start3A_48 = arith.constant 0 : i32
    %dma_start3A_49 = tpu.memref_slice %arg3[%dma_start3A_47, %dma_start3A_48] : memref<1000000x64xf32, #tpu.memory_space<hbm>> -> memref<1000000x64xf32, #tpu.memory_space<hbm>>
    tpu.enqueue_indirect_dma source(%dma_start3A_49 : memref<1000000x64xf32, #tpu.memory_space<hbm>>) target(%dma_start3A_43 : memref<128x64xf32, #tpu.memory_space<vmem>>) offsets(%dma_start3A_46 : memref<128xi32, #tpu.memory_space<vmem>>) semaphore(%arg16 : memref<!tpu.dma_semaphore, #tpu.memory_space<semaphore_mem>>)
    %dma_start3A_50 = arith.constant 1 : i32
    %dma_start3A_51 = arith.constant 128 : i32
    %dma_start3A_52 = arith.constant 0 : i32
    %dma_start3A_53 = tpu.memref_slice %arg12[%dma_start3A_51, %dma_start3A_52] : memref<1024x64xf32, #tpu.memory_space<vmem>> -> memref<128x64xf32, #tpu.memory_space<vmem>>
    %dma_start3A_54 = arith.constant 0 : i32
    %dma_start3A_55 = tpu.memref_slice %arg10[%dma_start3A_50, %dma_start3A_54] : memref<8x128xi32, #tpu.memory_space<vmem>> -> memref<1x128xi32, #tpu.memory_space<vmem>>
    %dma_start3A_56 = tpu.memref_squeeze %dma_start3A_55 : memref<1x128xi32, #tpu.memory_space<vmem>> -> memref<128xi32, #tpu.memory_space<vmem>>
    %dma_start3A_57 = arith.constant 0 : i32
    %dma_start3A_58 = arith.constant 0 : i32
    %dma_start3A_59 = tpu.memref_slice %arg3[%dma_start3A_57, %dma_start3A_58] : memref<1000000x64xf32, #tpu.memory_space<hbm>> -> memref<1000000x64xf32, #tpu.memory_space<hbm>>
    tpu.enqueue_indirect_dma source(%dma_start3A_59 : memref<1000000x64xf32, #tpu.memory_space<hbm>>) target(%dma_start3A_53 : memref<128x64xf32, #tpu.memory_space<vmem>>) offsets(%dma_start3A_56 : memref<128xi32, #tpu.memory_space<vmem>>) semaphore(%arg16 : memref<!tpu.dma_semaphore, #tpu.memory_space<semaphore_mem>>)
    %dma_start3A_60 = arith.constant 2 : i32
    %dma_start3A_61 = arith.constant 256 : i32
    %dma_start3A_62 = arith.constant 0 : i32
    %dma_start3A_63 = tpu.memref_slice %arg12[%dma_start3A_61, %dma_start3A_62] : memref<1024x64xf32, #tpu.memory_space<vmem>> -> memref<128x64xf32, #tpu.memory_space<vmem>>
    %dma_start3A_64 = arith.constant 0 : i32
    %dma_start3A_65 = tpu.memref_slice %arg10[%dma_start3A_60, %dma_start3A_64] : memref<8x128xi32, #tpu.memory_space<vmem>> -> memref<1x128xi32, #tpu.memory_space<vmem>>
    %dma_start3A_66 = tpu.memref_squeeze %dma_start3A_65 : memref<1x128xi32, #tpu.memory_space<vmem>> -> memref<128xi32, #tpu.memory_space<vmem>>
    %dma_start3A_67 = arith.constant 0 : i32
    %dma_start3A_68 = arith.constant 0 : i32
    %dma_start3A_69 = tpu.memref_slice %arg3[%dma_start3A_67, %dma_start3A_68] : memref<1000000x64xf32, #tpu.memory_space<hbm>> -> memref<1000000x64xf32, #tpu.memory_space<hbm>>
    tpu.enqueue_indirect_dma source(%dma_start3A_69 : memref<1000000x64xf32, #tpu.memory_space<hbm>>) target(%dma_start3A_63 : memref<128x64xf32, #tpu.memory_space<vmem>>) offsets(%dma_start3A_66 : memref<128xi32, #tpu.memory_space<vmem>>) semaphore(%arg16 : memref<!tpu.dma_semaphore, #tpu.memory_space<semaphore_mem>>)
    %dma_start3A_70 = arith.constant 3 : i32
    %dma_start3A_71 = arith.constant 384 : i32
    %dma_start3A_72 = arith.constant 0 : i32
    %dma_start3A_73 = tpu.memref_slice %arg12[%dma_start3A_71, %dma_start3A_72] : memref<1024x64xf32, #tpu.memory_space<vmem>> -> memref<128x64xf32, #tpu.memory_space<vmem>>
    %dma_start3A_74 = arith.constant 0 : i32
    %dma_start3A_75 = tpu.memref_slice %arg10[%dma_start3A_70, %dma_start3A_74] : memref<8x128xi32, #tpu.memory_space<vmem>> -> memref<1x128xi32, #tpu.memory_space<vmem>>
    %dma_start3A_76 = tpu.memref_squeeze %dma_start3A_75 : memref<1x128xi32, #tpu.memory_space<vmem>> -> memref<128xi32, #tpu.memory_space<vmem>>
    %dma_start3A_77 = arith.constant 0 : i32
    %dma_start3A_78 = arith.constant 0 : i32
    %dma_start3A_79 = tpu.memref_slice %arg3[%dma_start3A_77, %dma_start3A_78] : memref<1000000x64xf32, #tpu.memory_space<hbm>> -> memref<1000000x64xf32, #tpu.memory_space<hbm>>
    tpu.enqueue_indirect_dma source(%dma_start3A_79 : memref<1000000x64xf32, #tpu.memory_space<hbm>>) target(%dma_start3A_73 : memref<128x64xf32, #tpu.memory_space<vmem>>) offsets(%dma_start3A_76 : memref<128xi32, #tpu.memory_space<vmem>>) semaphore(%arg16 : memref<!tpu.dma_semaphore, #tpu.memory_space<semaphore_mem>>)
    %dma_start3A_80 = arith.constant 4 : i32
    %dma_start3A_81 = arith.constant 512 : i32
    %dma_start3A_82 = arith.constant 0 : i32
    %dma_start3A_83 = tpu.memref_slice %arg12[%dma_start3A_81, %dma_start3A_82] : memref<1024x64xf32, #tpu.memory_space<vmem>> -> memref<128x64xf32, #tpu.memory_space<vmem>>
    %dma_start3A_84 = arith.constant 0 : i32
    %dma_start3A_85 = tpu.memref_slice %arg10[%dma_start3A_80, %dma_start3A_84] : memref<8x128xi32, #tpu.memory_space<vmem>> -> memref<1x128xi32, #tpu.memory_space<vmem>>
    %dma_start3A_86 = tpu.memref_squeeze %dma_start3A_85 : memref<1x128xi32, #tpu.memory_space<vmem>> -> memref<128xi32, #tpu.memory_space<vmem>>
    %dma_start3A_87 = arith.constant 0 : i32
    %dma_start3A_88 = arith.constant 0 : i32
    %dma_start3A_89 = tpu.memref_slice %arg3[%dma_start3A_87, %dma_start3A_88] : memref<1000000x64xf32, #tpu.memory_space<hbm>> -> memref<1000000x64xf32, #tpu.memory_space<hbm>>
    tpu.enqueue_indirect_dma source(%dma_start3A_89 : memref<1000000x64xf32, #tpu.memory_space<hbm>>) target(%dma_start3A_83 : memref<128x64xf32, #tpu.memory_space<vmem>>) offsets(%dma_start3A_86 : memref<128xi32, #tpu.memory_space<vmem>>) semaphore(%arg16 : memref<!tpu.dma_semaphore, #tpu.memory_space<semaphore_mem>>)
    %dma_start3A_90 = arith.constant 5 : i32
    %dma_start3A_91 = arith.constant 640 : i32
    %dma_start3A_92 = arith.constant 0 : i32
    %dma_start3A_93 = tpu.memref_slice %arg12[%dma_start3A_91, %dma_start3A_92] : memref<1024x64xf32, #tpu.memory_space<vmem>> -> memref<128x64xf32, #tpu.memory_space<vmem>>
    %dma_start3A_94 = arith.constant 0 : i32
    %dma_start3A_95 = tpu.memref_slice %arg10[%dma_start3A_90, %dma_start3A_94] : memref<8x128xi32, #tpu.memory_space<vmem>> -> memref<1x128xi32, #tpu.memory_space<vmem>>
    %dma_start3A_96 = tpu.memref_squeeze %dma_start3A_95 : memref<1x128xi32, #tpu.memory_space<vmem>> -> memref<128xi32, #tpu.memory_space<vmem>>
    %dma_start3A_97 = arith.constant 0 : i32
    %dma_start3A_98 = arith.constant 0 : i32
    %dma_start3A_99 = tpu.memref_slice %arg3[%dma_start3A_97, %dma_start3A_98] : memref<1000000x64xf32, #tpu.memory_space<hbm>> -> memref<1000000x64xf32, #tpu.memory_space<hbm>>
    tpu.enqueue_indirect_dma source(%dma_start3A_99 : memref<1000000x64xf32, #tpu.memory_space<hbm>>) target(%dma_start3A_93 : memref<128x64xf32, #tpu.memory_space<vmem>>) offsets(%dma_start3A_96 : memref<128xi32, #tpu.memory_space<vmem>>) semaphore(%arg16 : memref<!tpu.dma_semaphore, #tpu.memory_space<semaphore_mem>>)
    %dma_start3A_100 = arith.constant 6 : i32
    %dma_start3A_101 = arith.constant 768 : i32
    %dma_start3A_102 = arith.constant 0 : i32
    %dma_start3A_103 = tpu.memref_slice %arg12[%dma_start3A_101, %dma_start3A_102] : memref<1024x64xf32, #tpu.memory_space<vmem>> -> memref<128x64xf32, #tpu.memory_space<vmem>>
    %dma_start3A_104 = arith.constant 0 : i32
    %dma_start3A_105 = tpu.memref_slice %arg10[%dma_start3A_100, %dma_start3A_104] : memref<8x128xi32, #tpu.memory_space<vmem>> -> memref<1x128xi32, #tpu.memory_space<vmem>>
    %dma_start3A_106 = tpu.memref_squeeze %dma_start3A_105 : memref<1x128xi32, #tpu.memory_space<vmem>> -> memref<128xi32, #tpu.memory_space<vmem>>
    %dma_start3A_107 = arith.constant 0 : i32
    %dma_start3A_108 = arith.constant 0 : i32
    %dma_start3A_109 = tpu.memref_slice %arg3[%dma_start3A_107, %dma_start3A_108] : memref<1000000x64xf32, #tpu.memory_space<hbm>> -> memref<1000000x64xf32, #tpu.memory_space<hbm>>
    tpu.enqueue_indirect_dma source(%dma_start3A_109 : memref<1000000x64xf32, #tpu.memory_space<hbm>>) target(%dma_start3A_103 : memref<128x64xf32, #tpu.memory_space<vmem>>) offsets(%dma_start3A_106 : memref<128xi32, #tpu.memory_space<vmem>>) semaphore(%arg16 : memref<!tpu.dma_semaphore, #tpu.memory_space<semaphore_mem>>)
    %dma_start3A_110 = arith.constant 7 : i32
    %dma_start3A_111 = arith.constant 896 : i32
    %dma_start3A_112 = arith.constant 0 : i32
    %dma_start3A_113 = tpu.memref_slice %arg12[%dma_start3A_111, %dma_start3A_112] : memref<1024x64xf32, #tpu.memory_space<vmem>> -> memref<128x64xf32, #tpu.memory_space<vmem>>
    %dma_start3A_114 = arith.constant 0 : i32
    %dma_start3A_115 = tpu.memref_slice %arg10[%dma_start3A_110, %dma_start3A_114] : memref<8x128xi32, #tpu.memory_space<vmem>> -> memref<1x128xi32, #tpu.memory_space<vmem>>
    %dma_start3A_116 = tpu.memref_squeeze %dma_start3A_115 : memref<1x128xi32, #tpu.memory_space<vmem>> -> memref<128xi32, #tpu.memory_space<vmem>>
    %dma_start3A_117 = arith.constant 0 : i32
    %dma_start3A_118 = arith.constant 0 : i32
    %dma_start3A_119 = tpu.memref_slice %arg3[%dma_start3A_117, %dma_start3A_118] : memref<1000000x64xf32, #tpu.memory_space<hbm>> -> memref<1000000x64xf32, #tpu.memory_space<hbm>>
    tpu.enqueue_indirect_dma source(%dma_start3A_119 : memref<1000000x64xf32, #tpu.memory_space<hbm>>) target(%dma_start3A_113 : memref<128x64xf32, #tpu.memory_space<vmem>>) offsets(%dma_start3A_116 : memref<128xi32, #tpu.memory_space<vmem>>) semaphore(%arg16 : memref<!tpu.dma_semaphore, #tpu.memory_space<semaphore_mem>>)
    %dma_wait3A = arith.constant 0 : i32
    %dma_wait3A_120 = arith.constant 0 : i32
    %dma_wait3A_121 = arith.constant 0 : i32
    %dma_wait3A_122 = tpu.memref_slice %arg11[%dma_wait3A_120, %dma_wait3A_121] : memref<512x64xf32, #tpu.memory_space<vmem>> -> memref<128x64xf32, #tpu.memory_space<vmem>>
    %dma_wait3A_123 = arith.constant 0 : i32
    %dma_wait3A_124 = tpu.memref_slice %arg9[%dma_wait3A, %dma_wait3A_123] : memref<4x128xi32, #tpu.memory_space<vmem>> -> memref<1x128xi32, #tpu.memory_space<vmem>>
    %dma_wait3A_125 = tpu.memref_squeeze %dma_wait3A_124 : memref<1x128xi32, #tpu.memory_space<vmem>> -> memref<128xi32, #tpu.memory_space<vmem>>
    %dma_wait3A_126 = arith.constant 0 : i32
    %dma_wait3A_127 = arith.constant 0 : i32
    %dma_wait3A_128 = tpu.memref_slice %arg2[%dma_wait3A_126, %dma_wait3A_127] : memref<1000000x64xf32, #tpu.memory_space<hbm>> -> memref<1000000x64xf32, #tpu.memory_space<hbm>>
    tpu.wait_indirect_dma semaphore(%arg16 : memref<!tpu.dma_semaphore, #tpu.memory_space<semaphore_mem>>) src(%dma_wait3A_128 : memref<1000000x64xf32, #tpu.memory_space<hbm>>) dst(%dma_wait3A_122 : memref<128x64xf32, #tpu.memory_space<vmem>>)
    %dma_wait3A_129 = arith.constant 1 : i32
    %dma_wait3A_130 = arith.constant 128 : i32
    %dma_wait3A_131 = arith.constant 0 : i32
    %dma_wait3A_132 = tpu.memref_slice %arg11[%dma_wait3A_130, %dma_wait3A_131] : memref<512x64xf32, #tpu.memory_space<vmem>> -> memref<128x64xf32, #tpu.memory_space<vmem>>
    %dma_wait3A_133 = arith.constant 0 : i32
    %dma_wait3A_134 = tpu.memref_slice %arg9[%dma_wait3A_129, %dma_wait3A_133] : memref<4x128xi32, #tpu.memory_space<vmem>> -> memref<1x128xi32, #tpu.memory_space<vmem>>
    %dma_wait3A_135 = tpu.memref_squeeze %dma_wait3A_134 : memref<1x128xi32, #tpu.memory_space<vmem>> -> memref<128xi32, #tpu.memory_space<vmem>>
    %dma_wait3A_136 = arith.constant 0 : i32
    %dma_wait3A_137 = arith.constant 0 : i32
    %dma_wait3A_138 = tpu.memref_slice %arg2[%dma_wait3A_136, %dma_wait3A_137] : memref<1000000x64xf32, #tpu.memory_space<hbm>> -> memref<1000000x64xf32, #tpu.memory_space<hbm>>
    tpu.wait_indirect_dma semaphore(%arg16 : memref<!tpu.dma_semaphore, #tpu.memory_space<semaphore_mem>>) src(%dma_wait3A_138 : memref<1000000x64xf32, #tpu.memory_space<hbm>>) dst(%dma_wait3A_132 : memref<128x64xf32, #tpu.memory_space<vmem>>)
    %dma_wait3A_139 = arith.constant 2 : i32
    %dma_wait3A_140 = arith.constant 256 : i32
    %dma_wait3A_141 = arith.constant 0 : i32
    %dma_wait3A_142 = tpu.memref_slice %arg11[%dma_wait3A_140, %dma_wait3A_141] : memref<512x64xf32, #tpu.memory_space<vmem>> -> memref<128x64xf32, #tpu.memory_space<vmem>>
    %dma_wait3A_143 = arith.constant 0 : i32
    %dma_wait3A_144 = tpu.memref_slice %arg9[%dma_wait3A_139, %dma_wait3A_143] : memref<4x128xi32, #tpu.memory_space<vmem>> -> memref<1x128xi32, #tpu.memory_space<vmem>>
    %dma_wait3A_145 = tpu.memref_squeeze %dma_wait3A_144 : memref<1x128xi32, #tpu.memory_space<vmem>> -> memref<128xi32, #tpu.memory_space<vmem>>
    %dma_wait3A_146 = arith.constant 0 : i32
    %dma_wait3A_147 = arith.constant 0 : i32
    %dma_wait3A_148 = tpu.memref_slice %arg2[%dma_wait3A_146, %dma_wait3A_147] : memref<1000000x64xf32, #tpu.memory_space<hbm>> -> memref<1000000x64xf32, #tpu.memory_space<hbm>>
    tpu.wait_indirect_dma semaphore(%arg16 : memref<!tpu.dma_semaphore, #tpu.memory_space<semaphore_mem>>) src(%dma_wait3A_148 : memref<1000000x64xf32, #tpu.memory_space<hbm>>) dst(%dma_wait3A_142 : memref<128x64xf32, #tpu.memory_space<vmem>>)
    %dma_wait3A_149 = arith.constant 3 : i32
    %dma_wait3A_150 = arith.constant 384 : i32
    %dma_wait3A_151 = arith.constant 0 : i32
    %dma_wait3A_152 = tpu.memref_slice %arg11[%dma_wait3A_150, %dma_wait3A_151] : memref<512x64xf32, #tpu.memory_space<vmem>> -> memref<128x64xf32, #tpu.memory_space<vmem>>
    %dma_wait3A_153 = arith.constant 0 : i32
    %dma_wait3A_154 = tpu.memref_slice %arg9[%dma_wait3A_149, %dma_wait3A_153] : memref<4x128xi32, #tpu.memory_space<vmem>> -> memref<1x128xi32, #tpu.memory_space<vmem>>
    %dma_wait3A_155 = tpu.memref_squeeze %dma_wait3A_154 : memref<1x128xi32, #tpu.memory_space<vmem>> -> memref<128xi32, #tpu.memory_space<vmem>>
    %dma_wait3A_156 = arith.constant 0 : i32
    %dma_wait3A_157 = arith.constant 0 : i32
    %dma_wait3A_158 = tpu.memref_slice %arg2[%dma_wait3A_156, %dma_wait3A_157] : memref<1000000x64xf32, #tpu.memory_space<hbm>> -> memref<1000000x64xf32, #tpu.memory_space<hbm>>
    tpu.wait_indirect_dma semaphore(%arg16 : memref<!tpu.dma_semaphore, #tpu.memory_space<semaphore_mem>>) src(%dma_wait3A_158 : memref<1000000x64xf32, #tpu.memory_space<hbm>>) dst(%dma_wait3A_152 : memref<128x64xf32, #tpu.memory_space<vmem>>)
    %dma_wait3A_159 = arith.constant 0 : i32
    %dma_wait3A_160 = arith.constant 0 : i32
    %dma_wait3A_161 = arith.constant 0 : i32
    %dma_wait3A_162 = tpu.memref_slice %arg12[%dma_wait3A_160, %dma_wait3A_161] : memref<1024x64xf32, #tpu.memory_space<vmem>> -> memref<128x64xf32, #tpu.memory_space<vmem>>
    %dma_wait3A_163 = arith.constant 0 : i32
    %dma_wait3A_164 = tpu.memref_slice %arg10[%dma_wait3A_159, %dma_wait3A_163] : memref<8x128xi32, #tpu.memory_space<vmem>> -> memref<1x128xi32, #tpu.memory_space<vmem>>
    %dma_wait3A_165 = tpu.memref_squeeze %dma_wait3A_164 : memref<1x128xi32, #tpu.memory_space<vmem>> -> memref<128xi32, #tpu.memory_space<vmem>>
    %dma_wait3A_166 = arith.constant 0 : i32
    %dma_wait3A_167 = arith.constant 0 : i32
    %dma_wait3A_168 = tpu.memref_slice %arg3[%dma_wait3A_166, %dma_wait3A_167] : memref<1000000x64xf32, #tpu.memory_space<hbm>> -> memref<1000000x64xf32, #tpu.memory_space<hbm>>
    tpu.wait_indirect_dma semaphore(%arg16 : memref<!tpu.dma_semaphore, #tpu.memory_space<semaphore_mem>>) src(%dma_wait3A_168 : memref<1000000x64xf32, #tpu.memory_space<hbm>>) dst(%dma_wait3A_162 : memref<128x64xf32, #tpu.memory_space<vmem>>)
    %dma_wait3A_169 = arith.constant 1 : i32
    %dma_wait3A_170 = arith.constant 128 : i32
    %dma_wait3A_171 = arith.constant 0 : i32
    %dma_wait3A_172 = tpu.memref_slice %arg12[%dma_wait3A_170, %dma_wait3A_171] : memref<1024x64xf32, #tpu.memory_space<vmem>> -> memref<128x64xf32, #tpu.memory_space<vmem>>
    %dma_wait3A_173 = arith.constant 0 : i32
    %dma_wait3A_174 = tpu.memref_slice %arg10[%dma_wait3A_169, %dma_wait3A_173] : memref<8x128xi32, #tpu.memory_space<vmem>> -> memref<1x128xi32, #tpu.memory_space<vmem>>
    %dma_wait3A_175 = tpu.memref_squeeze %dma_wait3A_174 : memref<1x128xi32, #tpu.memory_space<vmem>> -> memref<128xi32, #tpu.memory_space<vmem>>
    %dma_wait3A_176 = arith.constant 0 : i32
    %dma_wait3A_177 = arith.constant 0 : i32
    %dma_wait3A_178 = tpu.memref_slice %arg3[%dma_wait3A_176, %dma_wait3A_177] : memref<1000000x64xf32, #tpu.memory_space<hbm>> -> memref<1000000x64xf32, #tpu.memory_space<hbm>>
    tpu.wait_indirect_dma semaphore(%arg16 : memref<!tpu.dma_semaphore, #tpu.memory_space<semaphore_mem>>) src(%dma_wait3A_178 : memref<1000000x64xf32, #tpu.memory_space<hbm>>) dst(%dma_wait3A_172 : memref<128x64xf32, #tpu.memory_space<vmem>>)
    %dma_wait3A_179 = arith.constant 2 : i32
    %dma_wait3A_180 = arith.constant 256 : i32
    %dma_wait3A_181 = arith.constant 0 : i32
    %dma_wait3A_182 = tpu.memref_slice %arg12[%dma_wait3A_180, %dma_wait3A_181] : memref<1024x64xf32, #tpu.memory_space<vmem>> -> memref<128x64xf32, #tpu.memory_space<vmem>>
    %dma_wait3A_183 = arith.constant 0 : i32
    %dma_wait3A_184 = tpu.memref_slice %arg10[%dma_wait3A_179, %dma_wait3A_183] : memref<8x128xi32, #tpu.memory_space<vmem>> -> memref<1x128xi32, #tpu.memory_space<vmem>>
    %dma_wait3A_185 = tpu.memref_squeeze %dma_wait3A_184 : memref<1x128xi32, #tpu.memory_space<vmem>> -> memref<128xi32, #tpu.memory_space<vmem>>
    %dma_wait3A_186 = arith.constant 0 : i32
    %dma_wait3A_187 = arith.constant 0 : i32
    %dma_wait3A_188 = tpu.memref_slice %arg3[%dma_wait3A_186, %dma_wait3A_187] : memref<1000000x64xf32, #tpu.memory_space<hbm>> -> memref<1000000x64xf32, #tpu.memory_space<hbm>>
    tpu.wait_indirect_dma semaphore(%arg16 : memref<!tpu.dma_semaphore, #tpu.memory_space<semaphore_mem>>) src(%dma_wait3A_188 : memref<1000000x64xf32, #tpu.memory_space<hbm>>) dst(%dma_wait3A_182 : memref<128x64xf32, #tpu.memory_space<vmem>>)
    %dma_wait3A_189 = arith.constant 3 : i32
    %dma_wait3A_190 = arith.constant 384 : i32
    %dma_wait3A_191 = arith.constant 0 : i32
    %dma_wait3A_192 = tpu.memref_slice %arg12[%dma_wait3A_190, %dma_wait3A_191] : memref<1024x64xf32, #tpu.memory_space<vmem>> -> memref<128x64xf32, #tpu.memory_space<vmem>>
    %dma_wait3A_193 = arith.constant 0 : i32
    %dma_wait3A_194 = tpu.memref_slice %arg10[%dma_wait3A_189, %dma_wait3A_193] : memref<8x128xi32, #tpu.memory_space<vmem>> -> memref<1x128xi32, #tpu.memory_space<vmem>>
    %dma_wait3A_195 = tpu.memref_squeeze %dma_wait3A_194 : memref<1x128xi32, #tpu.memory_space<vmem>> -> memref<128xi32, #tpu.memory_space<vmem>>
    %dma_wait3A_196 = arith.constant 0 : i32
    %dma_wait3A_197 = arith.constant 0 : i32
    %dma_wait3A_198 = tpu.memref_slice %arg3[%dma_wait3A_196, %dma_wait3A_197] : memref<1000000x64xf32, #tpu.memory_space<hbm>> -> memref<1000000x64xf32, #tpu.memory_space<hbm>>
    tpu.wait_indirect_dma semaphore(%arg16 : memref<!tpu.dma_semaphore, #tpu.memory_space<semaphore_mem>>) src(%dma_wait3A_198 : memref<1000000x64xf32, #tpu.memory_space<hbm>>) dst(%dma_wait3A_192 : memref<128x64xf32, #tpu.memory_space<vmem>>)
    %dma_wait3A_199 = arith.constant 4 : i32
    %dma_wait3A_200 = arith.constant 512 : i32
    %dma_wait3A_201 = arith.constant 0 : i32
    %dma_wait3A_202 = tpu.memref_slice %arg12[%dma_wait3A_200, %dma_wait3A_201] : memref<1024x64xf32, #tpu.memory_space<vmem>> -> memref<128x64xf32, #tpu.memory_space<vmem>>
    %dma_wait3A_203 = arith.constant 0 : i32
    %dma_wait3A_204 = tpu.memref_slice %arg10[%dma_wait3A_199, %dma_wait3A_203] : memref<8x128xi32, #tpu.memory_space<vmem>> -> memref<1x128xi32, #tpu.memory_space<vmem>>
    %dma_wait3A_205 = tpu.memref_squeeze %dma_wait3A_204 : memref<1x128xi32, #tpu.memory_space<vmem>> -> memref<128xi32, #tpu.memory_space<vmem>>
    %dma_wait3A_206 = arith.constant 0 : i32
    %dma_wait3A_207 = arith.constant 0 : i32
    %dma_wait3A_208 = tpu.memref_slice %arg3[%dma_wait3A_206, %dma_wait3A_207] : memref<1000000x64xf32, #tpu.memory_space<hbm>> -> memref<1000000x64xf32, #tpu.memory_space<hbm>>
    tpu.wait_indirect_dma semaphore(%arg16 : memref<!tpu.dma_semaphore, #tpu.memory_space<semaphore_mem>>) src(%dma_wait3A_208 : memref<1000000x64xf32, #tpu.memory_space<hbm>>) dst(%dma_wait3A_202 : memref<128x64xf32, #tpu.memory_space<vmem>>)
    %dma_wait3A_209 = arith.constant 5 : i32
    %dma_wait3A_210 = arith.constant 640 : i32
    %dma_wait3A_211 = arith.constant 0 : i32
    %dma_wait3A_212 = tpu.memref_slice %arg12[%dma_wait3A_210, %dma_wait3A_211] : memref<1024x64xf32, #tpu.memory_space<vmem>> -> memref<128x64xf32, #tpu.memory_space<vmem>>
    %dma_wait3A_213 = arith.constant 0 : i32
    %dma_wait3A_214 = tpu.memref_slice %arg10[%dma_wait3A_209, %dma_wait3A_213] : memref<8x128xi32, #tpu.memory_space<vmem>> -> memref<1x128xi32, #tpu.memory_space<vmem>>
    %dma_wait3A_215 = tpu.memref_squeeze %dma_wait3A_214 : memref<1x128xi32, #tpu.memory_space<vmem>> -> memref<128xi32, #tpu.memory_space<vmem>>
    %dma_wait3A_216 = arith.constant 0 : i32
    %dma_wait3A_217 = arith.constant 0 : i32
    %dma_wait3A_218 = tpu.memref_slice %arg3[%dma_wait3A_216, %dma_wait3A_217] : memref<1000000x64xf32, #tpu.memory_space<hbm>> -> memref<1000000x64xf32, #tpu.memory_space<hbm>>
    tpu.wait_indirect_dma semaphore(%arg16 : memref<!tpu.dma_semaphore, #tpu.memory_space<semaphore_mem>>) src(%dma_wait3A_218 : memref<1000000x64xf32, #tpu.memory_space<hbm>>) dst(%dma_wait3A_212 : memref<128x64xf32, #tpu.memory_space<vmem>>)
    %dma_wait3A_219 = arith.constant 6 : i32
    %dma_wait3A_220 = arith.constant 768 : i32
    %dma_wait3A_221 = arith.constant 0 : i32
    %dma_wait3A_222 = tpu.memref_slice %arg12[%dma_wait3A_220, %dma_wait3A_221] : memref<1024x64xf32, #tpu.memory_space<vmem>> -> memref<128x64xf32, #tpu.memory_space<vmem>>
    %dma_wait3A_223 = arith.constant 0 : i32
    %dma_wait3A_224 = tpu.memref_slice %arg10[%dma_wait3A_219, %dma_wait3A_223] : memref<8x128xi32, #tpu.memory_space<vmem>> -> memref<1x128xi32, #tpu.memory_space<vmem>>
    %dma_wait3A_225 = tpu.memref_squeeze %dma_wait3A_224 : memref<1x128xi32, #tpu.memory_space<vmem>> -> memref<128xi32, #tpu.memory_space<vmem>>
    %dma_wait3A_226 = arith.constant 0 : i32
    %dma_wait3A_227 = arith.constant 0 : i32
    %dma_wait3A_228 = tpu.memref_slice %arg3[%dma_wait3A_226, %dma_wait3A_227] : memref<1000000x64xf32, #tpu.memory_space<hbm>> -> memref<1000000x64xf32, #tpu.memory_space<hbm>>
    tpu.wait_indirect_dma semaphore(%arg16 : memref<!tpu.dma_semaphore, #tpu.memory_space<semaphore_mem>>) src(%dma_wait3A_228 : memref<1000000x64xf32, #tpu.memory_space<hbm>>) dst(%dma_wait3A_222 : memref<128x64xf32, #tpu.memory_space<vmem>>)
    %dma_wait3A_229 = arith.constant 7 : i32
    %dma_wait3A_230 = arith.constant 896 : i32
    %dma_wait3A_231 = arith.constant 0 : i32
    %dma_wait3A_232 = tpu.memref_slice %arg12[%dma_wait3A_230, %dma_wait3A_231] : memref<1024x64xf32, #tpu.memory_space<vmem>> -> memref<128x64xf32, #tpu.memory_space<vmem>>
    %dma_wait3A_233 = arith.constant 0 : i32
    %dma_wait3A_234 = tpu.memref_slice %arg10[%dma_wait3A_229, %dma_wait3A_233] : memref<8x128xi32, #tpu.memory_space<vmem>> -> memref<1x128xi32, #tpu.memory_space<vmem>>
    %dma_wait3A_235 = tpu.memref_squeeze %dma_wait3A_234 : memref<1x128xi32, #tpu.memory_space<vmem>> -> memref<128xi32, #tpu.memory_space<vmem>>
    %dma_wait3A_236 = arith.constant 0 : i32
    %dma_wait3A_237 = arith.constant 0 : i32
    %dma_wait3A_238 = tpu.memref_slice %arg3[%dma_wait3A_236, %dma_wait3A_237] : memref<1000000x64xf32, #tpu.memory_space<hbm>> -> memref<1000000x64xf32, #tpu.memory_space<hbm>>
    tpu.wait_indirect_dma semaphore(%arg16 : memref<!tpu.dma_semaphore, #tpu.memory_space<semaphore_mem>>) src(%dma_wait3A_238 : memref<1000000x64xf32, #tpu.memory_space<hbm>>) dst(%dma_wait3A_232 : memref<128x64xf32, #tpu.memory_space<vmem>>)
    %iota3A = tpu.iota {dimensions = array<i32: 0>} : vector<16xi32>
    %broadcast_in_dim3A = arith.constant 0.000000e+00 : f32
    %broadcast_in_dim3A_239 = vector.broadcast %broadcast_in_dim3A : f32 to vector<16xf32>
    %scan3A = arith.constant 0 : i32
    %scan3A_240 = arith.constant 0 : i32
    %scan3A_241 = arith.constant 32 : i32
    %scan3A_242 = arith.addi %scan3A_240, %scan3A_241 : i32
    %scan3A_243 = arith.constant 1 : i32
    scf.for %scan3A_253 = %scan3A_240 to %scan3A_242 step %scan3A_243  : i32 {
      %mul3A_254 = arith.constant 16 : i32
      %mul3A_255 = arith.muli %scan3A_253, %mul3A_254 : i32
      %add3A_256 = vector.broadcast %mul3A_255 : i32 to vector<16xi32>
      %add3A_257 = arith.addi %add3A_256, %iota3A : vector<16xi32>
      %mul3A_258 = arith.constant 2 : i32
      %mul3A_259 = vector.broadcast %mul3A_258 : i32 to vector<16xi32>
      %mul3A_260 = arith.muli %add3A_257, %mul3A_259 : vector<16xi32>
      %add3A_261 = arith.constant 1 : i32
      %add3A_262 = vector.broadcast %add3A_261 : i32 to vector<16xi32>
      %add3A_263 = arith.addi %mul3A_260, %add3A_262 : vector<16xi32>
      %scan3A_264 = arith.constant 0 : i32
      %scan3A_265 = arith.constant 64 : i32
      %scan3A_266 = arith.addi %scan3A_264, %scan3A_265 : i32
      %scan3A_267 = arith.constant 1 : i32
      %scan3A_268:2 = scf.for %scan3A_275 = %scan3A_264 to %scan3A_266 step %scan3A_267 iter_args(%scan3A_276 = %broadcast_in_dim3A_239, %scan3A_277 = %broadcast_in_dim3A_239) -> (vector<16xf32>, vector<16xf32>)  : i32 {
        %broadcast_in_dim3A_278 = vector.broadcast %scan3A_275 : i32 to vector<16xi32>
        %gather3A = tpu.vector_load_idx %arg11[%add3A_257, %broadcast_in_dim3A_278] : memref<512x64xf32, #tpu.memory_space<vmem>>[vector<16xi32>, vector<16xi32>], vector<16xf32>,
        %gather3A_279 = tpu.vector_load_idx %arg12[%mul3A_260, %broadcast_in_dim3A_278] : memref<1024x64xf32, #tpu.memory_space<vmem>>[vector<16xi32>, vector<16xi32>], vector<16xf32>,
        %gather3A_280 = tpu.vector_load_idx %arg12[%add3A_263, %broadcast_in_dim3A_278] : memref<1024x64xf32, #tpu.memory_space<vmem>>[vector<16xi32>, vector<16xi32>], vector<16xf32>,
        %mul3A_281 = arith.mulf %gather3A, %gather3A_279 : vector<16xf32>
        %add3A_282 = arith.addf %scan3A_276, %mul3A_281 : vector<16xf32>
        %mul3A_283 = arith.mulf %gather3A, %gather3A_280 : vector<16xf32>
        %add3A_284 = arith.addf %scan3A_277, %mul3A_283 : vector<16xf32>
        scf.yield %add3A_282, %add3A_284 : vector<16xf32>, vector<16xf32>
      }
      %scan3A_269 = arith.constant 64 : i32
      tpu.vector_store_idx %arg13[%mul3A_260], %scan3A_268#0 : memref<1024xf32, #tpu.memory_space<vmem>>[vector<16xi32>], vector<16xf32>,
      tpu.vector_store_idx %arg13[%add3A_263], %scan3A_268#1 : memref<1024xf32, #tpu.memory_space<vmem>>[vector<16xi32>], vector<16xf32>,
      %mul3A_270 = arith.constant 16 : i32
      %mul3A_271 = arith.muli %scan3A_253, %mul3A_270 : i32
      %swap3A = arith.index_cast %mul3A_271 : i32 to index
      %swap3A_272 = tpu.vector_load %arg14[%swap3A] {strides = array<i32>} : memref<512xf32, #tpu.memory_space<vmem>>, vector<16xf32>,
      tpu.vector_store %arg14[%swap3A], %scan3A_268#0 {strides = array<i32>} : memref<512xf32, #tpu.memory_space<vmem>>, vector<16xf32>,
      %swap3A_273 = arith.index_cast %mul3A_271 : i32 to index
      %swap3A_274 = tpu.vector_load %arg15[%swap3A_273] {strides = array<i32>} : memref<512xf32, #tpu.memory_space<vmem>>, vector<16xf32>,
      tpu.vector_store %arg15[%swap3A_273], %scan3A_268#1 {strides = array<i32>} : memref<512xf32, #tpu.memory_space<vmem>>, vector<16xf32>,
    }
    %scan3A_244 = arith.constant 32 : i32
    %mul3A_245 = arith.constant 2 : i32
    %mul3A_246 = arith.muli %add3A, %mul3A_245 : i32
    %mul3A_247 = arith.constant 512 : i32
    %mul3A_248 = arith.muli %mul3A_246, %mul3A_247 : i32
    "tpu.region"() ({
      %run_scoped3A = tpu.sem_alloc : memref<!tpu.dma_semaphore, #tpu.memory_space<semaphore_mem>>
      %dma_start3A_253 = tpu.memref_slice %arg6[%mul3A_248] : memref<32768xf32, #tpu.memory_space<hbm>> -> memref<1024xf32, #tpu.memory_space<hbm>>
      %dma_start3A_254 = tpu.memref_slice %arg6[%mul3A_248] : memref<32768xf32, #tpu.memory_space<hbm>> -> memref<1024xf32, #tpu.memory_space<hbm>>
      tpu.enqueue_dma source(%arg13 : memref<1024xf32, #tpu.memory_space<vmem>>) target(%dma_start3A_254 : memref<1024xf32, #tpu.memory_space<hbm>>) target_semaphore(%run_scoped3A : memref<!tpu.dma_semaphore, #tpu.memory_space<semaphore_mem>>)
      %dma_wait3A_255 = tpu.memref_slice %arg6[%mul3A_248] : memref<32768xf32, #tpu.memory_space<hbm>> -> memref<1024xf32, #tpu.memory_space<hbm>>
      %dma_wait3A_256 = tpu.memref_slice %arg6[%mul3A_248] : memref<32768xf32, #tpu.memory_space<hbm>> -> memref<1024xf32, #tpu.memory_space<hbm>>
      tpu.wait_dma2 semaphore(%run_scoped3A : memref<!tpu.dma_semaphore, #tpu.memory_space<semaphore_mem>>) src(%arg13 : memref<1024xf32, #tpu.memory_space<vmem>>) dst(%dma_wait3A_256 : memref<1024xf32, #tpu.memory_space<hbm>>)
      tpu.yield
    }) : () -> ()
    %mul3A_249 = arith.constant 512 : i32
    %mul3A_250 = arith.muli %add3A, %mul3A_249 : i32
    "tpu.region"() ({
      %run_scoped3A = tpu.sem_alloc : memref<!tpu.dma_semaphore, #tpu.memory_space<semaphore_mem>>
      %dma_start3A_253 = tpu.memref_slice %arg7[%mul3A_250] : memref<16384xf32, #tpu.memory_space<hbm>> -> memref<512xf32, #tpu.memory_space<hbm>>
      %dma_start3A_254 = tpu.memref_slice %arg7[%mul3A_250] : memref<16384xf32, #tpu.memory_space<hbm>> -> memref<512xf32, #tpu.memory_space<hbm>>
      tpu.enqueue_dma source(%arg14 : memref<512xf32, #tpu.memory_space<vmem>>) target(%dma_start3A_254 : memref<512xf32, #tpu.memory_space<hbm>>) target_semaphore(%run_scoped3A : memref<!tpu.dma_semaphore, #tpu.memory_space<semaphore_mem>>)
      %dma_wait3A_255 = tpu.memref_slice %arg7[%mul3A_250] : memref<16384xf32, #tpu.memory_space<hbm>> -> memref<512xf32, #tpu.memory_space<hbm>>
      %dma_wait3A_256 = tpu.memref_slice %arg7[%mul3A_250] : memref<16384xf32, #tpu.memory_space<hbm>> -> memref<512xf32, #tpu.memory_space<hbm>>
      tpu.wait_dma2 semaphore(%run_scoped3A : memref<!tpu.dma_semaphore, #tpu.memory_space<semaphore_mem>>) src(%arg14 : memref<512xf32, #tpu.memory_space<vmem>>) dst(%dma_wait3A_256 : memref<512xf32, #tpu.memory_space<hbm>>)
      tpu.yield
    }) : () -> ()
    %mul3A_251 = arith.constant 512 : i32
    %mul3A_252 = arith.muli %add3A, %mul3A_251 : i32
    "tpu.region"() ({
      %run_scoped3A = tpu.sem_alloc : memref<!tpu.dma_semaphore, #tpu.memory_space<semaphore_mem>>
      %dma_start3A_253 = tpu.memref_slice %arg8[%mul3A_252] : memref<16384xf32, #tpu.memory_space<hbm>> -> memref<512xf32, #tpu.memory_space<hbm>>
      %dma_start3A_254 = tpu.memref_slice %arg8[%mul3A_252] : memref<16384xf32, #tpu.memory_space<hbm>> -> memref<512xf32, #tpu.memory_space<hbm>>
      tpu.enqueue_dma source(%arg15 : memref<512xf32, #tpu.memory_space<vmem>>) target(%dma_start3A_254 : memref<512xf32, #tpu.memory_space<hbm>>) target_semaphore(%run_scoped3A : memref<!tpu.dma_semaphore, #tpu.memory_space<semaphore_mem>>)
      %dma_wait3A_255 = tpu.memref_slice %arg8[%mul3A_252] : memref<16384xf32, #tpu.memory_space<hbm>> -> memref<512xf32, #tpu.memory_space<hbm>>
      %dma_wait3A_256 = tpu.memref_slice %arg8[%mul3A_252] : memref<16384xf32, #tpu.memory_space<hbm>> -> memref<512xf32, #tpu.memory_space<hbm>>
      tpu.wait_dma2 semaphore(%run_scoped3A : memref<!tpu.dma_semaphore, #tpu.memory_space<semaphore_mem>>) src(%arg15 : memref<512xf32, #tpu.memory_space<vmem>>) dst(%dma_wait3A_256 : memref<512xf32, #tpu.memory_space<hbm>>)
      tpu.yield
    }) : () -> ()
    return
  }
}

module attributes {stable_mosaic.version = 14 : i64} {
  func.func @_loss_body(%arg0: memref<128x128xf32, #tpu.memory_space<vmem>>, %arg1: memref<128x128xf32, #tpu.memory_space<vmem>>, %arg2: memref<1x1xf32, #tpu.memory_space<smem>>, %arg3: memref<1x1xf32, #tpu.memory_space<smem>>, %arg4: memref<1x1xf32, #tpu.memory_space<smem>>) attributes {dimension_semantics = [], scalar_prefetch = 0 : i64, scratch_operands = 0 : i64, tpu.core_type = #tpu.core_type<tc>} {
    %get3A = arith.constant 0 : index
    %get3A_0 = arith.constant 0 : index
    %get3A_1 = vector.load %arg0[%get3A, %get3A_0] : memref<128x128xf32, #tpu.memory_space<vmem>>, vector<128x128xf32>
    %get3A_2 = arith.constant 0 : index
    %get3A_3 = arith.constant 0 : index
    %get3A_4 = vector.load %arg1[%get3A_2, %get3A_3] : memref<128x128xf32, #tpu.memory_space<vmem>>, vector<128x128xf32>
    %sub3A = arith.subf %get3A_1, %get3A_4 : vector<128x128xf32>
    %logistic3A = arith.negf %sub3A : vector<128x128xf32>
    %logistic3A_5 = math.exp %logistic3A : vector<128x128xf32>
    %logistic3A_6 = arith.constant 1.000000e+00 : f32
    %logistic3A_7 = vector.broadcast %logistic3A_6 : f32 to vector<128x128xf32>
    %logistic3A_8 = arith.addf %logistic3A_7, %logistic3A_5 : vector<128x128xf32>
    %logistic3A_9 = arith.divf %logistic3A_7, %logistic3A_8 : vector<128x128xf32>
    %add3A = arith.constant 9.99999993E-9 : f32
    %add3A_10 = vector.broadcast %add3A : f32 to vector<128x128xf32>
    %add3A_11 = arith.addf %logistic3A_9, %add3A_10 : vector<128x128xf32>
    %log3A = math.log %add3A_11 : vector<128x128xf32>
    %reduce_sum3A = vector.shape_cast %log3A : vector<128x128xf32> to vector<1x128x128xf32>
    %reduce_sum3A_12 = arith.constant dense<0.000000e+00> : vector<1xf32>
    %reduce_sum3A_13 = vector.multi_reduction <add>, %reduce_sum3A, %reduce_sum3A_12 [1, 2] : vector<1x128x128xf32> to vector<1xf32>
    %reduce_sum3A_14 = vector.shape_cast %reduce_sum3A_13 : vector<1xf32> to vector<1x1x1xf32>
    %reduce_sum3A_15 = vector.extract %reduce_sum3A_14[0, 0, 0] : f32 from vector<1x1x1xf32>
    %neg3A = arith.constant 0.000000e+00 : f32
    %neg3A_16 = arith.subf %neg3A, %reduce_sum3A_15 : f32
    %div3A = arith.constant 1.638400e+04 : f32
    %div3A_17 = arith.divf %neg3A_16, %div3A : f32
    %get3A_18 = arith.constant 0 : index
    %get3A_19 = arith.constant 0 : index
    %get3A_20 = memref.load %arg2[%get3A_18, %get3A_19] : memref<1x1xf32, #tpu.memory_space<smem>>
    %get3A_21 = arith.constant 0 : index
    %get3A_22 = arith.constant 0 : index
    %get3A_23 = memref.load %arg3[%get3A_21, %get3A_22] : memref<1x1xf32, #tpu.memory_space<smem>>
    %add3A_24 = arith.addf %get3A_20, %get3A_23 : f32
    %mul3A = arith.constant 5.000000e-01 : f32
    %mul3A_25 = arith.mulf %add3A_24, %mul3A : f32
    %mul3A_26 = arith.constant 9.99999974E-5 : f32
    %mul3A_27 = arith.mulf %mul3A_26, %mul3A_25 : f32
    %add3A_28 = arith.addf %div3A_17, %mul3A_27 : f32
    %swap3A = arith.constant 0 : index
    %swap3A_29 = arith.constant 0 : index
    %swap3A_30 = memref.load %arg4[%swap3A, %swap3A_29] : memref<1x1xf32, #tpu.memory_space<smem>>
    memref.store %add3A_28, %arg4[%swap3A, %swap3A_29] : memref<1x1xf32, #tpu.memory_space<smem>>
    return
  }
}

</mosaic_0001>

<sc_bundles>
// kernel: kernel.4.cloned.1.call-start
scs
__scs_entry_jumppad:
0x0: {  	(pc) =	sbr.rel $0x88, $3  }
0x1: {  	(tag) =	ssettag $0x0;
	lr =	simm.s32 $0x1  }
0x2: {  	[smem:$0x3F9D] =	sst lr;
	_ =	strace $0xD0000000  }
0x3: {  	_ = 	snop  }
0x4: {  	_ = 	snop  }
0x5: {  	_ = 	snop  }
0x6: {  	_ = 	snop  }
0x7: {  	_ = 	snop  }
__scs_overlays_trampoline_lowered:
0x8: {  	[smem:$0x3FAC] =	sst s0  }
0x9: {  	[smem:$0x3FAD] =	sst s1  }
0xa: {  	[smem:$0x3FAE] =	sst s2  }
0xb: {  	[smem:$0x3FAF] =	sst s3  }
0xc: {  	[smem:$0x3FB0] =	sst s4  }
0xd: {  	[smem:$0x3FB1] =	sst s5  }
0xe: {  	[smem:$0x3FB2] =	sst s6  }
0xf: {  	[smem:$0x3FB3] =	sst s7  }
0x10: {  	[smem:$0x3FB4] =	sst s8  }
0x11: {  	[smem:$0x3FB5] =	sst s9;
	s0 =	simm.s32 @!p0 $0x0  }
0x12: {  	s1 =	sld [smem:$0x3F9B];
	s0 =	simm.s32 @p0 $0x1  }
0x13: {  	[smem:$0x3FB6] =	sst s0;
	s0 =	simm.s32 @!p1 $0x0  }
0x14: {  	s2 =	sld [smem:$0x3F9A];
	s0 =	simm.s32 @p1 $0x1  }
0x15: {  	[smem:$0x3FB7] =	sst s0;
	s0 =	simm.s32 @!p2 $0x0  }
0x16: {  	s3 =	sld [smem:$0x3FDB];
	s0 =	simm.s32 @p2 $0x1  }
0x17: {  	s4 =	simm.s32 $0x1BF5;
	[smem:$0x3FB9] =	sst s0  }
0x18: {  	s0 =	sld [smem:$0x3F9C];
	_ =	swait.ge [sflag:s4], $0x0  }
0x19: {  	s7 =	sld [smem:$0x3F9D]  }
0x1a: {  	s8 =	sadd.s32 $0xFFFFE003, lr  }
0x1b: {  	s9 =	sadd.s32 $0xFFFFFEF7, lr;
	s5 =	simm.s32 $0xFFFFFFFF;
	p2 =	slt.u32 s8, $0xFFFFF086  }
0x1c: {  	p1 =	slt.u32 s9, $0xF7A;
	s5 =	simm.s32 @!p2 $0x0  }
0x1d: {  	s5 =	simm.s32 @p1 $0x1;
	p0 =	seq.s32 s7, s2  }
0x1e: {  	s7 =	smul.u32 @!p0 $0xF7A, s2;
	p2 =	seq.s32 @!p0 s5, $0x0  }
0x1f: {  	s9 =	smul.u32 $0xF7A, s1;
	s8 =	simm.s32 @!p0 $0x1BF5;
	p2 =	por !p2, p0  }
0x20: {  	[sflag:s8] =	ssyncset.s32 @!p0 $0xFFFFF086;
	s6 =	sadd.s32 @!p0 s3, s7;
	s7 =	simm.s32 @!p0 $0x108  }
0x21: {  	s3 =	sadd.s32 s3, s9;
	s6 =	sadd.s32 @!p0 $0x88, s6;
	s7 =	simm.s32 @p2 $0x1082  }
0x22: {  	[simem:s7], [sflag:s8] =	dma.local @!p0 [hbm:s6], $0xF7A  }
0x23: {  	s9 =	sor.u32 $0xD0000000, s2;
	s6 =	simm.s32 $0x108;
	_ =	swait.ge @!p0 [sflag:s8], $0x0  }
0x24: {  	s3 =	sadd.s32 $0x88, s3;
	s6 =	simm.s32 @!p1 $0x1082;
	[sflag:s4] =	ssyncset.s32 $0xFFFFF086  }
0x25: {  	[simem:s6], [sflag:s4] =	dma.local [hbm:s3], $0xF7A  }
0x26: {  	[smem:$0x3F9D] =	sst s1;
	(tag) =	ssettag s2;
	_ =	strace s9  }
0x27: {  	s1 =	sld [smem:$0x3FAD]  }
0x28: {  	s2 =	sld [smem:$0x3FAE]  }
0x29: {  	s4 =	sld [smem:$0x3FB0]  }
0x2a: {  	p0 =	seq.s32 s5, $0x0;
	s5 =	sld [smem:$0x3FB1]  }
0x2b: {  	s6 =	sld [smem:$0x3FB2]  }
0x2c: {  	s7 =	sld [smem:$0x3FB3]  }
0x2d: {  	s3 =	simm.s32 $0x108;
	s8 =	sld [smem:$0x3FB4]  }
0x2e: {  	s3 =	simm.s32 @!p0 $0x1082;
	s9 =	sld [smem:$0x3FB5]  }
0x2f: {  	lr =	sadd.s32 s0, s3;
	s0 =	sld [smem:$0x3FAC]  }
0x30: {  	s3 =	sld [smem:$0x3FAF]  }
0x31: {  	[smem:$0x3FB8] =	sst s10  }
0x32: {  	s10 =	sld [smem:$0x3FB6];
	_ =	sdelay $0x3  }
0x33: {  	p0 =	seq.s32 s10, $0x1;
	s10 =	sld [smem:$0x3FB8];
	_ =	sdelay $0x3  }
0x34: {  	[smem:$0x3FB8] =	sst s10  }
0x35: {  	s10 =	sld [smem:$0x3FB7];
	_ =	sdelay $0x3  }
0x36: {  	p1 =	seq.s32 s10, $0x1;
	s10 =	sld [smem:$0x3FB8];
	_ =	sdelay $0x3  }
0x37: {  	[smem:$0x3FB8] =	sst s10  }
0x38: {  	s10 =	sld [smem:$0x3FB9]  }
0x39: {  	_ = 	snop;
	(pc) =	sbr.ind lr, $3  }
0x3a: {  	_ = 	snop  }
0x3b: {  	_ = 	snop  }
0x3c: {  	p2 =	seq.s32 s10, $0x1;
	s10 =	sld [smem:$0x3FB8]  }
0x3d: {  	_ =	shalt  }
0x3e: {  	_ =	shalt  }
0x3f: {  	_ =	shalt  }
0x40: {  	_ =	shalt  }
0x41: {  	_ =	shalt  }
0x42: {  	_ =	shalt  }
0x43: {  	_ =	shalt  }
0x44: {  	_ =	shalt  }
0x45: {  	_ =	shalt  }
0x46: {  	_ =	shalt  }
0x47: {  	_ =	shalt  }
0x48: {  	_ =	shalt  }
0x49: {  	_ =	shalt  }
0x4a: {  	_ =	shalt  }
0x4b: {  	_ =	shalt  }
0x4c: {  	_ =	shalt  }
0x4d: {  	_ =	shalt  }
0x4e: {  	_ =	shalt  }
0x4f: {  	_ =	shalt  }
0x50: {  	_ =	shalt  }
0x51: {  	_ =	shalt  }
0x52: {  	_ =	shalt  }
0x53: {  	_ =	shalt  }
0x54: {  	_ =	shalt  }
0x55: {  	_ =	shalt  }
0x56: {  	_ =	shalt  }
0x57: {  	_ =	shalt  }
0x58: {  	_ =	shalt  }
0x59: {  	_ =	shalt  }
0x5a: {  	_ =	shalt  }
0x5b: {  	_ =	shalt  }
0x5c: {  	_ =	shalt  }
0x5d: {  	_ =	shalt  }
0x5e: {  	_ =	shalt  }
0x5f: {  	_ =	shalt  }
0x60: {  	_ =	shalt  }
0x61: {  	_ =	shalt  }
0x62: {  	_ =	shalt  }
0x63: {  	_ =	shalt  }
0x64: {  	_ =	shalt  }
0x65: {  	_ =	shalt  }
0x66: {  	_ =	shalt  }
0x67: {  	_ =	shalt  }
0x68: {  	_ =	shalt  }
0x69: {  	_ =	shalt  }
0x6a: {  	_ =	shalt  }
0x6b: {  	_ =	shalt  }
0x6c: {  	_ =	shalt  }
0x6d: {  	_ =	shalt  }
0x6e: {  	_ =	shalt  }
0x6f: {  	_ =	shalt  }
0x70: {  	_ =	shalt  }
0x71: {  	_ =	shalt  }
0x72: {  	_ =	shalt  }
0x73: {  	_ =	shalt  }
0x74: {  	_ =	shalt  }
0x75: {  	_ =	shalt  }
0x76: {  	_ =	shalt  }
0x77: {  	_ =	shalt  }
0x78: {  	_ =	shalt  }
0x79: {  	_ =	shalt  }
0x7a: {  	_ =	shalt  }
0x7b: {  	_ =	shalt  }
0x7c: {  	_ =	shalt  }
0x7d: {  	_ =	shalt  }
0x7e: {  	_ =	shalt  }
0x7f: {  	_ =	shalt  }
0x80: {  	_ =	shalt  }
0x81: {  	_ =	shalt  }
0x82: {  	_ =	shalt  }
0x83: {  	_ =	shalt  }
0x84: {  	_ =	shalt  }
0x85: {  	_ =	shalt  }
0x86: {  	_ =	shalt  }
0x87: {  	_ =	shalt  }
.Lfunc_end0:
.L_simem_size_0:
called_computation_lowered:
.L_overlay_start_0:
0x88: {  	s2 =	sld [smem:$0x3FD9]  }
0x89: {  	s3 =	sld [smem:$0x3FFE];
	_ =	sdelay $0x1  }
0x8a: {  	s1 =	srdreg.scid  }
0x8b: {  	s0 =	sand.u32 $0x1, s1  }
0x8c: {  	s14 =	sshll.u32 s0, $0xA;
	s2 =	sadd.s32 s3, s2  }
0x8d: {  	s2 =	sadd.s32 s2, s14  }
0x8e: {  	[smem:$0x3FC4] =	sst s2  }
0x8f: {  	_ = 	snop  }
0x90: {  	s2 =	sld [smem:$0x3FD0];
	_ =	sdelay $0x2  }
0x91: {  	s4 =	simm.s32 $0xA;
	s5 =	simm.s32 $0x10;
	s15 =	sld [smem:$0x3FC7]  }
0x92: {  	[smem:s5], [sflag:s4] =	dma.local [hbm:s2], $0x1  }
0x93: {  	_ =	swait.eq [sflag:s4], $0x1  }
0x94: {  	[sflag:s4] =	ssyncset.done $0x0  }
0x95: {  	[sflag:s4] =	ssyncadd.s32 $0xFFFFFFFF  }
0x96: {  	s16 =	sld [smem:$0x10];
	(tm) =	ssettm $0x1  }
0x97: {  	s17 =	sld [smem:$0x3FFB];
	_ =	sdelay $0x3  }
0x98: {  	_ =	strace s17  }
0x99: {  	s4 =	sld [smem:$0x3FFC];
	_ =	sdelay $0x3  }
0x9a: {  	_ =	strace s4  }
0x9b: {  	s4 =	sld [smem:$0x3FFD];
	_ =	sdelay $0x3  }
0x9c: {  	_ =	strace s4  }
0x9d: {  	_ =	strace $0x8FFFFFFF  }
0x9e: {  	s18 =	sld [smem:$0x3FDB];
	_ =	sdelay $0x1  }
0x9f: {  	s19 =	simm.s32 $_scs_section_size  }
0xa0: {  	s6 =	simm.s32 $_size__tile_overlayer_lowered;
	s7 =	simm.s32 $_tile_overlayer_lowered  }
0xa1: {  	s22 =	simm.s32 $0x1BFF;
	s21 =	sshll.u32 s7, $0x1;
	s4 =	sadd.s32 s19, s18  }
0xa2: {  	s8 =	simm.s32 $0x0;
	s20 =	sshll.u32 s6, $0x1;
	s6 =	sadd.s32 s21, s4  }
0xa3: {  	[timem:s8], [sflag:s22] =	dma.local [hbm:s6], s20  }
0xa4: {  	_ =	swait.ge [sflag:s22], s20  }
0xa5: {  	s5 =	ssub.s32 $0x0, s20;
	[sflag:s22] =	ssyncset.done $0x0  }
0xa6: {  	[sflag:s22] =	ssyncadd.s32 s5;
	_ =	sdelay $0x1  }
0xa7: {  	s23 =	simm.s32 $0x1B8B  }
0xa8: {  	_ =	swait.ge [sflag:s23], $0x1  }
0xa9: {  	[sflag:s23] =	ssyncset.done $0x0  }
0xaa: {  	s25 =	simm.s32 $0x1B8E;
	s24 =	sld [smem:$0x3FFE];
	[sflag:s23] =	ssyncadd.s32 $0xFFFFFFFF  }
0xab: {  	s26 =	simm.s32 $execute0_lowered;
	[smem:$0x3FD2] =	sst s25  }
0xac: {  	s6 =	sshll.u32 s26, $0x1;
	_ =	strace $0x80000046;
	[dreg:$0x1] =	wrdreg $0xFFFFFFFF  }
0xad: {  	s28 =	simm.s32 $_size_execute0_lowered;
	s4 =	sadd.s32 s4, s6;
	[dreg:$0x0] =	wrdreg $0x0  }
0xae: {  	s6 =	sshll.u32 s28, $0x1;
	[dreg:$0x2] =	wrdreg s4  }
0xaf: {  	[dreg:$0x3] =	wrdreg s6  }
0xb0: {  	[dreg:$0x4] =	wrdreg $0xC0  }
0xb1: {  	_ =	task [dreg:s8], $0x5FFFF  }
0xb2: {  	[dreg:$0x1] =	wrdreg $0xFFFFFFFF  }
0xb3: {  	[dreg:$0x0] =	wrdreg $0x60  }
0xb4: {  	[dreg:$0x2] =	wrdreg s24  }
0xb5: {  	[dreg:$0x3] =	wrdreg s15  }
0xb6: {  	[dreg:$0x4] =	wrdreg s16  }
0xb7: {  	[dreg:$0x5] =	wrdreg $0x9  }
0xb8: {  	_ =	task.clear_ibuf [dreg:s8], $0x6FFFF;
	_ =	strace $0x90000046  }
0xb9: {  	s29 =	simm.s32 $0x9;
	_ =	strace $0x80000048  }
0xba: {  	_ =	swait.ge [sflag:s29], $0x1  }
0xbb: {  	[sflag:s29] =	ssyncadd.s32 $0xFFFFFFFF  }
0xbc: {  	_ =	strace $0x90000048  }
0xbd: {  	_ =	sfence  }
0xbe: {  	s30 =	sld [smem:$0x0];
	_ =	sdelay $0x2  }
0xbf: {  	s31 =	sshll.u32 s1, $0xD;
	s1 =	sshrl.u32 s1, $0x2  }
0xc0: {  	s3 =	sand.u32 $0x4000, s31;
	s1 =	sadd.s32 s1, s30  }
0xc1: {  	s0 =	sor.u32 s3, s0;
	s1 =	sshll.u32 s1, $0x11  }
0xc2: {  	s0 =	sor.u32 s1, s0  }
0xc3: {  	s0 =	sadd.s32 $0x8F2B, s0  }
0xc4: {  	[sflag:s0] =	ssyncadd.remote.s32 $0x1  }
0xc5: {  	_ =	sfence.sel $0xFFFF  }
0xc6: {  	[dreg:$0x0] =	wrdreg $0xFFFFFFFF;
	(pc) =	sbr.abs _section_cstart, $3  }
0xc7: {  	[dreg:$0x1] =	wrdreg $0xFFFFFFFF  }
0xc8: {  	_ =	task.clear_ibuf [dreg:s8], $0x2FFFF;
	_ =	strace $0x9FFFFFFF  }
0xc9: {  	(tm) =	ssettm $0x7FFFFFFF  }
tec
execute0_lowered:
.L_overlay_start_1:
0x0: {  	(tag) =	ssettag $0x1  }
0x1: {  	s0 =	rddreg [dreg:$0x0]  }
0x2: {  	s1 =	rddreg [dreg:$0x1]  }
0x3: {  	s6 =	rddreg [dreg:$0x2]  }
0x4: {  	s2 =	simm.s32 $0x0;
	s3 =	srdreg.scid;
	s4 =	stileid.u32  }
0x5: {  	s11 =	simm.s32 $0x2;
	s12 =	simm.s32 $0x200;
	s13 =	simm.s32 $0x80  }
0x6: {  	s14 =	simm.s32 $0x600;
	s20 =	simm.s32 $0x8600;
	s26 =	simm.s32 $0xE600  }
0x7: {  	s28 =	simm.s32 $0x400;
	s29 =	simm.s32 $0x10600;
	s30 =	simm.s32 $0x480  }
0x8: {  	s31 =	simm.s32 $0x12600;
	s15 =	simm.s32 $0x580;
	s16 =	simm.s32 $0x16600  }
0x9: {  	s17 =	simm.s32 $0x1;
	s18 =	simm.s32 $0x18600;
	s19 =	simm.s32 $0x18A00  }
0xa: {  	s21 =	simm.s32 $0x18C00;
	s22 =	simm.s32 $0x0;
	[smem:$0x7FF] =	sst s2  }
0xb: {  	s5 =	sand.u32 $0x1, s3;
	s7 =	sshll.u32 s4, $0x1;
	s3 =	sadd.s32 $0x16E4400, s0  }
0xc: {  	s4 =	sadd.s32 $0xF43200, s0;
	_ =	strace $0x80000047;
	s7 =	sor.u32 s5, s7  }
0xd: {  	s5 =	ssub.s32 $0x2, s5;
	s8 =	sshll.u32 s7, $0x7;
	s7 =	sshll.u32 s7, $0x6  }
0xe: {  	s10 =	sshrl.u32 s5, $0x1;
	s9 =	sadd.s32 s8, s0;
	s0 =	sadd.s32 s7, s0  }
0xf: {  	s10 =	ssub.s32 s5, s10;
	s5 =	sadd.s32 s1, s7;
	s6 =	sadd.s32 s6, s8  }
0x10: {  	s1 =	simm.s32 $0x14600;
	s7 =	sadd.s32 $0xE00, s9;
	s8 =	sadd.s32 $0x1E00, s0  }
0x11: {  	v0 =	vlaneseq.u32;
	s9 =	sadd.s32 $0x2600, s0;
	s10 =	smax.u32 s10, $0x1;
	s0 =	simm.s32 $0x500  }
.LBB2_1:
0x12: {  	[tilespmem:s2], [sflag:$0x2] =	stream.linear.gather [hbm4b:s5+s2], $0x200, $0x38;
	[tilespmem:$0x18E00] =	vst v63  }
0x13: {  	_ =	swait.ge [sflag:s11], $0x200  }
0x14: {  	[sflag:s11] =	ssyncset.done $0x0  }
0x15: {  	[sflag:s11] =	ssyncadd.s32 $0xFFFFFE00  }
0x16: {  	[tilespmem:s12], [sflag:$0x2] =	stream.linear.gather [hbm4b:s6+s2], $0x400, $0x38;
	[tilespmem:$0x18E00] =	vst v63  }
0x17: {  	_ =	swait.ge [sflag:s11], $0x400  }
0x18: {  	[sflag:s11] =	ssyncset.done $0x0  }
0x19: {  	[sflag:s11] =	ssyncadd.s32 $0xFFFFFC00  }
0x1a: {  	[tilespmem:s14], [sflag:$0x1] =	stream.indirect.gather [hbm4b:s3+s13], $0x40, s2, s13, $0xb8;
	[tilespmem:$0x18E00] =	vst v63  }
0x1b: {  	s23 =	simm.s32 $0x2600  }
0x1c: {  	[tilespmem:s23], [sflag:$0x1] =	stream.indirect.gather [hbm4b:s3+s13], $0x40, s13, s13, $0xb8;
	[tilespmem:$0x18E00] =	vst v63  }
0x1d: {  	s25 =	simm.s32 $0x100;
	s24 =	simm.s32 $0x4600  }
0x1e: {  	[tilespmem:s24], [sflag:$0x1] =	stream.indirect.gather [hbm4b:s3+s13], $0x40, s25, s13, $0xb8;
	[tilespmem:$0x18E00] =	vst v63  }
0x1f: {  	s24 =	simm.s32 $0x180;
	s25 =	simm.s32 $0x6600  }
0x20: {  	[tilespmem:s25], [sflag:$0x1] =	stream.indirect.gather [hbm4b:s3+s13], $0x40, s24, s13, $0xb8;
	[tilespmem:$0x18E00] =	vst v63  }
0x21: {  	_ = 	snop  }
0x22: {  	[tilespmem:s20], [sflag:$0x1] =	stream.indirect.gather [hbm4b:s4+s13], $0x40, s12, s13, $0xb8;
	[tilespmem:$0x18E00] =	vst v63  }
0x23: {  	s24 =	simm.s32 $0x280;
	s25 =	simm.s32 $0xA600  }
0x24: {  	[tilespmem:s25], [sflag:$0x1] =	stream.indirect.gather [hbm4b:s4+s13], $0x40, s24, s13, $0xb8;
	[tilespmem:$0x18E00] =	vst v63  }
0x25: {  	s24 =	simm.s32 $0x300;
	s25 =	simm.s32 $0xC600  }
0x26: {  	[tilespmem:s25], [sflag:$0x1] =	stream.indirect.gather [hbm4b:s4+s13], $0x40, s24, s13, $0xb8;
	[tilespmem:$0x18E00] =	vst v63  }
0x27: {  	s25 =	simm.s32 $0x380  }
0x28: {  	[tilespmem:s26], [sflag:$0x1] =	stream.indirect.gather [hbm4b:s4+s13], $0x40, s25, s13, $0xb8;
	[tilespmem:$0x18E00] =	vst v63  }
0x29: {  	_ = 	snop  }
0x2a: {  	[tilespmem:s29], [sflag:$0x1] =	stream.indirect.gather [hbm4b:s4+s13], $0x40, s28, s13, $0xb8;
	[tilespmem:$0x18E00] =	vst v63  }
0x2b: {  	_ = 	snop  }
0x2c: {  	[tilespmem:s31], [sflag:$0x1] =	stream.indirect.gather [hbm4b:s4+s13], $0x40, s30, s13, $0xb8;
	[tilespmem:$0x18E00] =	vst v63  }
0x2d: {  	_ = 	snop  }
0x2e: {  	[tilespmem:s1], [sflag:$0x1] =	stream.indirect.gather [hbm4b:s4+s13], $0x40, s0, s13, $0xb8;
	[tilespmem:$0x18E00] =	vst v63  }
0x2f: {  	_ = 	snop  }
0x30: {  	[tilespmem:s16], [sflag:$0x1] =	stream.indirect.gather [hbm4b:s4+s13], $0x40, s15, s13, $0xb8;
	[tilespmem:$0x18E00] =	vst v63  }
0x31: {  	_ =	swait.ge [sflag:s17], $0x2000  }
0x32: {  	[sflag:s17] =	ssyncset.done $0x0  }
0x33: {  	[sflag:s17] =	ssyncadd.s32 $0xFFFFE000  }
0x34: {  	_ =	swait.ge [sflag:s17], $0x2000  }
0x35: {  	[sflag:s17] =	ssyncset.done $0x0  }
0x36: {  	[sflag:s17] =	ssyncadd.s32 $0xFFFFE000  }
0x37: {  	_ =	swait.ge [sflag:s17], $0x2000  }
0x38: {  	[sflag:s17] =	ssyncset.done $0x0  }
0x39: {  	[sflag:s17] =	ssyncadd.s32 $0xFFFFE000  }
0x3a: {  	_ =	swait.ge [sflag:s17], $0x2000  }
0x3b: {  	[sflag:s17] =	ssyncset.done $0x0  }
0x3c: {  	[sflag:s17] =	ssyncadd.s32 $0xFFFFE000  }
0x3d: {  	_ =	swait.ge [sflag:s17], $0x2000  }
0x3e: {  	[sflag:s17] =	ssyncset.done $0x0  }
0x3f: {  	[sflag:s17] =	ssyncadd.s32 $0xFFFFE000  }
0x40: {  	_ =	swait.ge [sflag:s17], $0x2000  }
0x41: {  	[sflag:s17] =	ssyncset.done $0x0  }
0x42: {  	[sflag:s17] =	ssyncadd.s32 $0xFFFFE000  }
0x43: {  	_ =	swait.ge [sflag:s17], $0x2000  }
0x44: {  	[sflag:s17] =	ssyncset.done $0x0  }
0x45: {  	[sflag:s17] =	ssyncadd.s32 $0xFFFFE000  }
0x46: {  	_ =	swait.ge [sflag:s17], $0x2000  }
0x47: {  	[sflag:s17] =	ssyncset.done $0x0  }
0x48: {  	[sflag:s17] =	ssyncadd.s32 $0xFFFFE000  }
0x49: {  	_ =	swait.ge [sflag:s17], $0x2000  }
0x4a: {  	[sflag:s17] =	ssyncset.done $0x0  }
0x4b: {  	[sflag:s17] =	ssyncadd.s32 $0xFFFFE000  }
0x4c: {  	_ =	swait.ge [sflag:s17], $0x2000  }
0x4d: {  	[sflag:s17] =	ssyncset.done $0x0  }
0x4e: {  	[sflag:s17] =	ssyncadd.s32 $0xFFFFE000  }
0x4f: {  	_ =	swait.ge [sflag:s17], $0x2000  }
0x50: {  	[sflag:s17] =	ssyncset.done $0x0  }
0x51: {  	[sflag:s17] =	ssyncadd.s32 $0xFFFFE000  }
0x52: {  	_ =	swait.ge [sflag:s17], $0x2000  }
0x53: {  	[sflag:s17] =	ssyncset.done $0x0  }
0x54: {  	s23 =	simm.s32 $0x0;
	[sflag:s17] =	ssyncadd.s32 $0xFFFFE000  }
.LBB2_2:
0x55: {  	s24 =	simm.s32 $0x0  }
0x56: {  	v1 =	vmov s24  }
0x57: {  	s24 =	sshll.u32 s23, $0x4;
	v2 =	vand.u32 $0x3F, v1  }
0x58: {  	v1 =	vor.u32 s24, v0;
	v5 =	vbroadcast v2, $0x0  }
0x59: {  	v2 =	vshll.u32 v1, $0x6;
	v3 =	vshll.u32 v1, $0x7  }
0x5a: {  	s25 =	simm.s32 $0x1;
	v4 =	vor.u32 $0x40, v3;
	v6 =	vor.u32 v2, v5  }
0x5b: {  	v8 =	vmov s25;
	v7 =	vor.u32 v4, v5  }
0x5c: {  	v8 =	vand.u32 $0x3F, v8;
	v5 =	vor.u32 v3, v5  }
0x5d: {  	v8 =	vbroadcast v8, $0x0;
	_ =	sdelay $0x1  }
0x5e: {  	v11 =	vld.idx.msk [tilespmem:v6+s14+$0x0], $0xffff;
	v6 =	vor.u32 v2, v8  }
0x5f: {  	s25 =	simm.s32 $0x2;
	v10 =	vld.idx.msk [tilespmem:v7+s20+$0x0], $0xffff;
	v7 =	vor.u32 v4, v8  }
0x60: {  	v14 =	vor.u32 v3, v8;
	v15 =	vld.idx.msk [tilespmem:v5+s20+$0x0], $0xffff;
	v5 =	vmov s25  }
0x61: {  	v5 =	vand.u32 $0x3F, v5  }
0x62: {  	v12 =	vbroadcast v5, $0x0  }
0x63: {  	v5 =	vimm.f32 $0.0e+00;
	v6 =	vld.idx.msk [tilespmem:v6+s14+$0x0], $0xffff  }
0x64: {  	v9 =	vor.u32 v2, v12;
	v8 =	vor.u32 v3, v12;
	v7 =	vld.idx.msk [tilespmem:v7+s20+$0x0], $0xffff;
	v13 =	vmul.f32 v10, v11  }
0x65: {  	s25 =	simm.s32 $0x3;
	v12 =	vor.u32 v4, v12;
	v10 =	vld.idx.msk [tilespmem:v14+s20+$0x0], $0xffff;
	v14 =	vmul.f32 v15, v11;
	v11 =	vimm.f32 $0.0e+00  }
.LBB2_3:
0x66: {  	v15 =	vmov s25;
	v5 =	vadd.f32 v13, v5;
	p0 =	sne.s32 s25, $0x3F  }
.Ltmp0:
0x67: {  	s25 =	sadd.s32 $0x1, s25;
	v13 =	vand.u32 $0x3F, v15;
	v11 =	vadd.f32 v14, v11;
	(pc) =	sbr.rel @p0 .LBB2_3-.Ltmp0, $4  }
0x68: {  	v14 =	vbroadcast v13, $0x0  }
0x69: {  	v15 =	vmov v6;
	v6 =	vld.idx.msk [tilespmem:v9+s14+$0x0], $0xffff  }
0x6a: {  	v9 =	vor.u32 v2, v14;
	v16 =	vor.u32 v3, v14;
	v13 =	vmul.f32 v7, v15;
	v7 =	vld.idx.msk [tilespmem:v12+s20+$0x0], $0xffff  }
0x6b: {  	v12 =	vor.u32 v4, v14;
	v14 =	vmul.f32 v10, v15;
	v10 =	vld.idx.msk [tilespmem:v8+s20+$0x0], $0xffff;
	v8 =	vmov v16  }
0x6c: {  	_ =	sdelay $0x3  }
0x6d: {  	v2 =	vld.idx.msk [tilespmem:v9+s14+$0x0], $0xffff  }
0x6e: {  	v3 =	vld.idx.msk [tilespmem:v8+s20+$0x0], $0xffff  }
0x6f: {  	v4 =	vld.idx.msk [tilespmem:v12+s20+$0x0], $0xffff;
	_ =	sdelay $0x1  }
0x70: {  	v59 =	vadd.f32 v14, v11;
	v60 =	vmul.f32 v10, v6  }
0x71: {  	v5 =	vadd.f32 v13, v5;
	v1 =	vshll.u32 v1, $0x1;
	v61 =	vmul.f32 v7, v6  }
0x72: {  	v63 =	vor.u32 $0x1, v1;
	v3 =	vmul.f32 v3, v2;
	v62 =	vadd.f32 v60, v59  }
0x73: {  	s23 =	sadd.s32 $0x1, s23;
	v5 =	vadd.f32 v61, v5;
	v2 =	vmul.f32 v4, v2  }
0x74: {  	p0 =	sne.s32 s23, $0x20;
	v3 =	vadd.f32 v3, v62  }
.Ltmp1:
0x75: {  	v2 =	vadd.f32 v2, v5;
	(pc) =	sbr.rel @p0 .LBB2_2-.Ltmp1, $4  }
0x76: {  	[tilespmem:v1+s18+$0x0] =	vst.idx.msk $0xffff, v3  }
0x77: {  	[tilespmem:v63+s18+$0x0] =	vst.idx.msk $0xffff, v2  }
0x78: {  	[tilespmem:s24+$0x18A00] =	vst v3  }
0x79: {  	[tilespmem:s24+$0x18C00] =	vst v2  }
0x7a: {  	[hbm4b:s7+s2] =	stream.linear.scatter [tilespmem:s18], [sflag:$0x2], $0x400, $0x38;
	[tilespmem:$0x18E00] =	vst v63  }
0x7b: {  	_ =	swait.ge [sflag:s11], $0x400  }
0x7c: {  	[sflag:s11] =	ssyncset.done $0x0  }
0x7d: {  	[sflag:s11] =	ssyncadd.s32 $0xFFFFFC00  }
0x7e: {  	[hbm4b:s8+s2] =	stream.linear.scatter [tilespmem:s19], [sflag:$0x2], $0x200, $0x38;
	[tilespmem:$0x18E00] =	vst v63  }
0x7f: {  	s22 =	sadd.s32 $0x1, s22;
	_ =	swait.ge [sflag:s11], $0x200  }
0x80: {  	p0 =	sne.s32 s22, s10;
	[sflag:s11] =	ssyncset.done $0x0  }
.Ltmp2:
0x81: {  	[sflag:s11] =	ssyncadd.s32 $0xFFFFFE00;
	(pc) =	sbr.rel @p0 .LBB2_1-.Ltmp2, $4  }
0x82: {  	[hbm4b:s9+s2] =	stream.linear.scatter [tilespmem:s21], [sflag:$0x2], $0x200, $0x38;
	[tilespmem:$0x18E00] =	vst v63  }
0x83: {  	_ =	swait.ge [sflag:s11], $0x200  }
0x84: {  	[sflag:s11] =	ssyncset.done $0x0  }
0x85: {  	[sflag:s11] =	ssyncadd.s32 $0xFFFFFE00  }
0x86: {  	_ =	sfence.sel $0x180000  }
0x87: {  	[bflag:$0x0] =	sbarrier.arrive $0xFFFF  }
0x88: {  	_ =	strace $0x90000047  }
0x89: {  	s0 =	stileid.u32;
	[bflag:$0x2] =	sbarrier.arrive $0xFFFF  }
0x8a: {  	p0 =	sne.s32 s0, $0x0;
	s0 =	rddreg [dreg:$0x3]  }
0x8b: {  	s0 =	sadd.s32 @!p0 $0x100000, s0  }
0x8c: {  	[sflag:s0] =	ssyncadd.tile.s32 @!p0 $0x1;
	_ =	shalt  }
.Lfunc_end2:
_tile_overlayer_lowered:
.L_overlay_start_2:
0x8d: {  	(tag) =	ssettag $0x2  }
0x8e: {  	s0 =	rddreg [dreg:$0x0];
	s2 =	stileid.u32  }
0x8f: {  	s1 =	rddreg [dreg:$0x1];
	p0 =	sne.s32 s2, $0x0  }
0x90: {  	s3 =	rddreg [dreg:$0x2];
	[bflag:$0x3] =	sbarrier.arrive $0xFFFF;
	s2 =	simm.s32 @!p0 $0x1C02  }
0x91: {  	[timem:s3], [sflag:s2] =	dma.local @!p0 [hbm:s0], s1  }
0x92: {  	s0 =	simm.s32 @!p0 $0x2  }
0x93: {  	_ =	swait.ge @!p0 [sflag:s0], s1  }
0x94: {  	s1 =	ssub.s32 @!p0 $0x0, s1;
	[sflag:s0] =	ssyncset.done @!p0 $0x0  }
0x95: {  	[sflag:s0] =	ssyncadd.s32 @!p0 s1  }
0x96: {  	[bflag:$0x3] =	sbarrier.arrive $0xFFFF  }
0x97: {  	_ =	shalt  }

</sc_bundles>
